<compile_context>
chip_gen: v7x
topology: tpu7x:2x2x1
jax: 0.10.2.dev20260603
libtpu: 0.0.44.dev20260713+nightly
codegen_flags: <defaults>
</compile_context>

<pallas_src>
import functools

import jax
import jax.numpy as jnp
from jax import lax
from jax.experimental import pallas as pl
from jax.experimental.pallas import tpu as pltpu
from jax.experimental.pallas import tpu_sc as plsc

N = 10000
E = 160000
D_IN = 1433
H = 32

NC, NS = 2, 16
IDXW = 128
EPAD = 163840
RT = 40
NPAD = 10240
NPW = NPAD // NS
NSTG = N // NS

BM1 = 1024
BM2 = 2048


def _make_sc_scatter(with_counts: bool):
  mesh = plsc.VectorSubcoreMesh(
      core_axis_name="c", subcore_axis_name="s", num_cores=NC, num_subcores=NS)

  out_type = [jax.ShapeDtypeStruct((NC * NPAD, 32), jnp.float32)]
  scratch_types = [
      pltpu.VMEM((RT, IDXW), jnp.int32),
      pltpu.VMEM((RT, IDXW), jnp.int32),
      pltpu.VMEM((2, IDXW, 32), jnp.float32),
      pltpu.VMEM_SHARED((N, 32), jnp.float32),
      pltpu.VMEM_SHARED((NPAD, 32), jnp.float32),
      pltpu.SemaphoreType.DMA,
  ]
  if with_counts:
    out_type.append(jax.ShapeDtypeStruct((NC * NPAD, 16), jnp.float32))
    scratch_types += [
        pltpu.VMEM((IDXW, 16), jnp.float32),
        pltpu.VMEM_SHARED((NPAD, 16), jnp.float32),
    ]

  def body(refs):
    if with_counts:
      (table_hbm, src_hbm, dst_hbm, zeros32_hbm, zeros16_hbm, ones_hbm,
       sum_out, cnt_out, src_v, dst_v, rows_v, tab_sh, acc_sh, sem,
       ones_v, cnt_sh) = refs
    else:
      (table_hbm, src_hbm, dst_hbm, zeros32_hbm,
       sum_out, src_v, dst_v, rows_v, tab_sh, acc_sh, sem) = refs

    cid = lax.axis_index("c")
    sid = lax.axis_index("s")
    with jax.named_scope("stage"):
      pltpu.sync_copy(table_hbm.at[pl.ds(sid * NSTG, NSTG)],
                      tab_sh.at[pl.ds(sid * NSTG, NSTG)])
      pltpu.sync_copy(zeros32_hbm.at[pl.ds(sid * NPW, NPW)],
                      acc_sh.at[pl.ds(sid * NPW, NPW)])
      if with_counts:
        pltpu.sync_copy(zeros16_hbm.at[pl.ds(sid * NPW, NPW)],
                        cnt_sh.at[pl.ds(sid * NPW, NPW)])
        pltpu.sync_copy(ones_hbm, ones_v)
      b = (cid * NS + sid) * RT
      pltpu.sync_copy(src_hbm.at[pl.ds(b, RT)], src_v)
      pltpu.sync_copy(dst_hbm.at[pl.ds(b, RT)], dst_v)

    with jax.named_scope("bar1"):
      plsc.subcore_barrier()

    def _gather(j, bb):
      return pltpu.make_async_copy(tab_sh.at[src_v.at[j]], rows_v.at[bb], sem)

    _gather(0, 0).start()

    def loop_body(j, carry):
      bb = lax.rem(j, 2)
      _gather(j, bb).wait()

      @pl.when(j + 1 < RT)
      def _():
        _gather(j + 1, 1 - bb).start()

      pltpu.sync_copy(rows_v.at[bb], acc_sh.at[dst_v.at[j]], add=True)
      if with_counts:
        pltpu.sync_copy(ones_v, cnt_sh.at[dst_v.at[j]], add=True)
      return carry

    with jax.named_scope("edges"):
      lax.fori_loop(0, RT, loop_body, 0)
    with jax.named_scope("bar2"):
      plsc.subcore_barrier()
    with jax.named_scope("wb"):
      pltpu.sync_copy(acc_sh.at[pl.ds(sid * NPW, NPW)],
                      sum_out.at[pl.ds(cid * NPAD + sid * NPW, NPW)])
      if with_counts:
        pltpu.sync_copy(cnt_sh.at[pl.ds(sid * NPW, NPW)],
                        cnt_out.at[pl.ds(cid * NPAD + sid * NPW, NPW)])

  if with_counts:
    @functools.partial(
        pl.kernel, out_type=out_type, mesh=mesh,
        compiler_params=pltpu.CompilerParams(use_tc_tiling_on_sc=False),
        scratch_types=scratch_types)
    def sc_kernel(table_hbm, src_hbm, dst_hbm, zeros32_hbm, zeros16_hbm,
                  ones_hbm, sum_out, cnt_out, src_v, dst_v, rows_v, tab_sh,
                  acc_sh, sem, ones_v, cnt_sh):
      body((table_hbm, src_hbm, dst_hbm, zeros32_hbm, zeros16_hbm, ones_hbm,
            sum_out, cnt_out, src_v, dst_v, rows_v, tab_sh, acc_sh, sem,
            ones_v, cnt_sh))
  else:
    @functools.partial(
        pl.kernel, out_type=out_type[0], mesh=mesh,
        compiler_params=pltpu.CompilerParams(use_tc_tiling_on_sc=False),
        scratch_types=scratch_types)
    def sc_kernel(table_hbm, src_hbm, dst_hbm, zeros32_hbm, sum_out,
                  src_v, dst_v, rows_v, tab_sh, acc_sh, sem):
      body((table_hbm, src_hbm, dst_hbm, zeros32_hbm, sum_out,
            src_v, dst_v, rows_v, tab_sh, acc_sh, sem))

  return sc_kernel


_sc_scatter_l1 = _make_sc_scatter(True)
_sc_scatter_l2 = _make_sc_scatter(False)


def _tc1_body(xt_ref, w_ref, b0_ref, t_out, r_out):
  z = lax.dot_general(xt_ref[...], w_ref[...], (((0,), (0,)), ((), ())),
                      preferred_element_type=jnp.float32)
  t_out[...] = z[:, :32]
  r_out[...] = z[:, 32:] + b0_ref[...]


def _tc1(xt, wcat, b0):
  grid = NPAD // BM1
  return pl.pallas_call(
      _tc1_body,
      grid=(grid,),
      in_specs=[
          pl.BlockSpec((D_IN, BM1), lambda i: (0, i)),
          pl.BlockSpec((D_IN, 64), lambda i: (0, 0)),
          pl.BlockSpec((1, 32), lambda i: (0, 0)),
      ],
      out_specs=[
          pl.BlockSpec((BM1, 32), lambda i: (i, 0)),
          pl.BlockSpec((BM1, 32), lambda i: (i, 0)),
      ],
      out_shape=[
          jax.ShapeDtypeStruct((NPAD, 32), jnp.float32),
          jax.ShapeDtypeStruct((NPAD, 32), jnp.float32),
      ],
  )(xt, wcat, b0)


def _tc2_body(pa_ref, pb_ref, ca_ref, cb_ref, r0_ref, wl1_ref, wr1_ref,
              b1_ref, t_out, r_out, inv_out):
  s = pa_ref[...] + pb_ref[...]
  cnt = ca_ref[...][:, 0:1] + cb_ref[...][:, 0:1]
  inv = 1.0 / jnp.maximum(cnt, 1.0)
  h = s * inv + r0_ref[...]
  t_out[...] = jnp.dot(h, wl1_ref[...], preferred_element_type=jnp.float32)
  r_out[...] = jnp.dot(h, wr1_ref[...], preferred_element_type=jnp.float32) \
      + b1_ref[...]
  inv_out[...] = jnp.broadcast_to(inv, (BM2, 32))


def _tc2(p0, pc, r0, wl1, wr1, b1):
  grid = NPAD // BM2
  nb = NPAD // BM2
  return pl.pallas_call(
      _tc2_body,
      grid=(grid,),
      in_specs=[
          pl.BlockSpec((BM2, 32), lambda i: (i, 0)),
          pl.BlockSpec((BM2, 32), lambda i: (i + nb, 0)),
          pl.BlockSpec((BM2, 16), lambda i: (i, 0)),
          pl.BlockSpec((BM2, 16), lambda i: (i + nb, 0)),
          pl.BlockSpec((BM2, 32), lambda i: (i, 0)),
          pl.BlockSpec((32, 32), lambda i: (0, 0)),
          pl.BlockSpec((32, 32), lambda i: (0, 0)),
          pl.BlockSpec((1, 32), lambda i: (0, 0)),
      ],
      out_specs=[
          pl.BlockSpec((BM2, 32), lambda i: (i, 0)),
          pl.BlockSpec((BM2, 32), lambda i: (i, 0)),
          pl.BlockSpec((BM2, 32), lambda i: (i, 0)),
      ],
      out_shape=[
          jax.ShapeDtypeStruct((NPAD, 32), jnp.float32),
          jax.ShapeDtypeStruct((NPAD, 32), jnp.float32),
          jax.ShapeDtypeStruct((NPAD, 32), jnp.float32),
      ],
  )(p0, p0, pc, pc, r0, wl1, wr1, b1)


def _tc3_body(pa_ref, pb_ref, r1_ref, inv_ref, out_ref):
  h = (pa_ref[...] + pb_ref[...]) * inv_ref[...] + r1_ref[...]
  z = jnp.maximum(h, 0.0)
  m = jnp.max(z, axis=1, keepdims=True)
  lse = jnp.log(jnp.sum(jnp.exp(z - m), axis=1, keepdims=True)) + m
  out_ref[...] = (z - lse).T


def _tc3(p1, r1, inv):
  grid = NPAD // BM2
  nb = NPAD // BM2
  return pl.pallas_call(
      _tc3_body,
      grid=(grid,),
      in_specs=[
          pl.BlockSpec((BM2, 32), lambda i: (i, 0)),
          pl.BlockSpec((BM2, 32), lambda i: (i + nb, 0)),
          pl.BlockSpec((BM2, 32), lambda i: (i, 0)),
          pl.BlockSpec((BM2, 32), lambda i: (i, 0)),
      ],
      out_specs=pl.BlockSpec((32, BM2), lambda i: (0, i)),
      out_shape=jax.ShapeDtypeStruct((32, N), jnp.float32),
  )(p1, p1, r1, inv)


def kernel(x, edge_index, Wl0, Wr0, b0, Wl1, Wr1, b1):
  src = edge_index[0].astype(jnp.int32)
  dst = edge_index[1].astype(jnp.int32)
  src_rs = jnp.pad(src, (0, EPAD - E)).reshape(EPAD // IDXW, IDXW)
  dummy_dst = N + (jnp.arange(EPAD - E, dtype=jnp.int32) % (NPAD - N))
  dst_rs = jnp.concatenate([dst, dummy_dst]).reshape(EPAD // IDXW, IDXW)
  wcat = jnp.concatenate([Wl0, Wr0], axis=1)
  zeros32 = jnp.zeros((NPAD, 32), jnp.float32)
  zeros16 = jnp.zeros((NPAD, 16), jnp.float32)
  ones16 = jnp.ones((IDXW, 16), jnp.float32)

  table0, r0 = _tc1(x.T, wcat, b0.reshape(1, 32))

  p0, pc = _sc_scatter_l1(table0, src_rs, dst_rs, zeros32, zeros16, ones16)
  table1, r1, inv = _tc2(p0, pc, r0, Wl1, Wr1, b1.reshape(1, 32))

  p1 = _sc_scatter_l2(table1, src_rs, dst_rs, zeros32)
  return _tc3(p1, r1, inv).T

# --- scband reference (transcript-rebuilt; emitter-appended) ---
"""Pipeline reference for scband-graph-sage-5085241279053 (READ-ONLY COPY).

The authoritative reference and input builder live on the scoring server;
editing this copy changes nothing except your own understanding.
"""

import jax, jax.numpy as jnp
import numpy as np

N = 10000
E = 160000
D_IN = 1433
H = 32


def setup_inputs(seed: int = 0) -> dict:
    key = jax.random.key(seed)
    ks = jax.random.split(key, 9)
    x = jax.random.normal(ks[0], (N, D_IN), dtype=jnp.float32)
    edge_index = jax.random.randint(ks[1], (2, E), 0, N)
    # SAGEConv(1433, 32) params: lin_l (applied to aggregated neighbors), lin_r (root)
    Wl0 = jax.random.normal(ks[2], (D_IN, H), dtype=jnp.float32) * (1.0 / np.sqrt(D_IN))
    Wr0 = jax.random.normal(ks[3], (D_IN, H), dtype=jnp.float32) * (1.0 / np.sqrt(D_IN))
    b0 = jnp.zeros((H,), dtype=jnp.float32)
    # SAGEConv(32, 32) params
    Wl1 = jax.random.normal(ks[4], (H, H), dtype=jnp.float32) * (1.0 / np.sqrt(H))
    Wr1 = jax.random.normal(ks[5], (H, H), dtype=jnp.float32) * (1.0 / np.sqrt(H))
    b1 = jnp.zeros((H,), dtype=jnp.float32)
    return {"x": x, "edge_index": edge_index, "Wl0": Wl0, "Wr0": Wr0, "b0": b0,
            "Wl1": Wl1, "Wr1": Wr1, "b1": b1}


def _sage_conv(x, edge_index, Wl, Wr, b):
    # PyG SAGEConv, aggr='mean': out = lin_l(mean_{j in N(i)} x_j) + lin_r(x_i)
    src = edge_index[0]
    dst = edge_index[1]
    msg = jnp.take(x, src, axis=0)                     # gather  [E, d]
    agg_sum = jax.ops.segment_sum(msg, dst, num_segments=x.shape[0])
    cnt = jax.ops.segment_sum(jnp.ones((src.shape[0],), dtype=x.dtype), dst,
                              num_segments=x.shape[0])
    agg = agg_sum / jnp.maximum(cnt, 1.0)[:, None]
    return agg @ Wl + x @ Wr + b


def reference(x, edge_index, Wl0, Wr0, b0, Wl1, Wr1, b1):
    h = _sage_conv(x, edge_index, Wl0, Wr0, b0)
    # Original forward calls qunt_op/dequnt_op here but discards the result (x2 unused),
    # so it is dead code; the un-quantized h feeds conv[1], as in the original.
    h = _sage_conv(h, edge_index, Wl1, Wr1, b1)
    h = jax.nn.relu(h)
    # dropout is identity in eval mode
    return jax.nn.log_softmax(h, axis=1)

if __name__ == "__main__":
    import jax
    _d = setup_inputs()
    print(jax.jit(kernel)(*tuple(_d.values())))

</pallas_src>

<mosaic_0001>
#map = affine_map<(d0, d1) -> (0, 0)>
module attributes {stable_mosaic.version = 14 : i64} {
  func.func @sc_kernel(%arg0: i32, %arg1: i32, %arg2: memref<10240x32xf32, #tpu.memory_space<hbm>>, %arg3: memref<1280x128xi32, #tpu.memory_space<hbm>>, %arg4: memref<1280x128xi32, #tpu.memory_space<hbm>>, %arg5: memref<10240x32xf32, #tpu.memory_space<hbm>>, %arg6: memref<20480x32xf32, #tpu.memory_space<hbm>>, %arg7: memref<40x128xi32, #tpu.memory_space<vmem>>, %arg8: memref<40x128xi32, #tpu.memory_space<vmem>>, %arg9: memref<2x128x32xf32, #tpu.memory_space<vmem>>, %arg10: memref<10000x32xf32, #tpu.memory_space<vmem_shared>>, %arg11: memref<10240x32xf32, #tpu.memory_space<vmem_shared>>, %arg12: memref<!tpu.dma_semaphore, #tpu.memory_space<semaphore_mem>>) attributes {dimension_semantics = [#tpu.dimension_semantics<core_parallel>, #tpu.dimension_semantics<subcore_parallel>], iteration_bounds = array<i64: 2, 16>, scalar_prefetch = 0 : i64, scratch_operands = 6 : i64, tpu.core_type = #tpu.core_type<sc_vector_subcore>, window_params = [{transform_indices = #map}, {transform_indices = #map}, {transform_indices = #map}, {transform_indices = #map}, {transform_indices = #map}]} {
    "tpu.trace_start"() <{level = 10 : i32, message = "stage"}> : () -> ()
    %mul3A = arith.constant 625 : i32
    %mul3A_0 = arith.muli %arg1, %mul3A : i32
    %mul3A_1 = arith.constant 625 : i32
    %mul3A_2 = arith.muli %arg1, %mul3A_1 : i32
    "tpu.region"() ({
      %run_scoped3A = tpu.sem_alloc : memref<!tpu.dma_semaphore, #tpu.memory_space<semaphore_mem>>
      %dma_start3A_35 = arith.constant 0 : i32
      %dma_start3A_36 = tpu.memref_slice %arg10[%mul3A_2, %dma_start3A_35] : memref<10000x32xf32, #tpu.memory_space<vmem_shared>> -> memref<625x32xf32, #tpu.memory_space<vmem_shared>>
      %dma_start3A_37 = arith.constant 0 : i32
      %dma_start3A_38 = tpu.memref_slice %arg2[%mul3A_0, %dma_start3A_37] : memref<10240x32xf32, #tpu.memory_space<hbm>> -> memref<625x32xf32, #tpu.memory_space<hbm>>
      tpu.enqueue_dma source(%dma_start3A_38 : memref<625x32xf32, #tpu.memory_space<hbm>>) target(%dma_start3A_36 : memref<625x32xf32, #tpu.memory_space<vmem_shared>>) target_semaphore(%run_scoped3A : memref<!tpu.dma_semaphore, #tpu.memory_space<semaphore_mem>>)
      %dma_wait3A = arith.constant 0 : i32
      %dma_wait3A_39 = tpu.memref_slice %arg10[%mul3A_2, %dma_wait3A] : memref<10000x32xf32, #tpu.memory_space<vmem_shared>> -> memref<625x32xf32, #tpu.memory_space<vmem_shared>>
      %dma_wait3A_40 = arith.constant 0 : i32
      %dma_wait3A_41 = tpu.memref_slice %arg2[%mul3A_0, %dma_wait3A_40] : memref<10240x32xf32, #tpu.memory_space<hbm>> -> memref<625x32xf32, #tpu.memory_space<hbm>>
      tpu.wait_dma2 semaphore(%run_scoped3A : memref<!tpu.dma_semaphore, #tpu.memory_space<semaphore_mem>>) src(%dma_wait3A_41 : memref<625x32xf32, #tpu.memory_space<hbm>>) dst(%dma_wait3A_39 : memref<625x32xf32, #tpu.memory_space<vmem_shared>>)
      tpu.yield
    }) : () -> ()
    %mul3A_3 = arith.constant 640 : i32
    %mul3A_4 = arith.muli %arg1, %mul3A_3 : i32
    %mul3A_5 = arith.constant 640 : i32
    %mul3A_6 = arith.muli %arg1, %mul3A_5 : i32
    "tpu.region"() ({
      %run_scoped3A = tpu.sem_alloc : memref<!tpu.dma_semaphore, #tpu.memory_space<semaphore_mem>>
      %dma_start3A_35 = arith.constant 0 : i32
      %dma_start3A_36 = tpu.memref_slice %arg11[%mul3A_6, %dma_start3A_35] : memref<10240x32xf32, #tpu.memory_space<vmem_shared>> -> memref<640x32xf32, #tpu.memory_space<vmem_shared>>
      %dma_start3A_37 = arith.constant 0 : i32
      %dma_start3A_38 = tpu.memref_slice %arg5[%mul3A_4, %dma_start3A_37] : memref<10240x32xf32, #tpu.memory_space<hbm>> -> memref<640x32xf32, #tpu.memory_space<hbm>>
      tpu.enqueue_dma source(%dma_start3A_38 : memref<640x32xf32, #tpu.memory_space<hbm>>) target(%dma_start3A_36 : memref<640x32xf32, #tpu.memory_space<vmem_shared>>) target_semaphore(%run_scoped3A : memref<!tpu.dma_semaphore, #tpu.memory_space<semaphore_mem>>)
      %dma_wait3A = arith.constant 0 : i32
      %dma_wait3A_39 = tpu.memref_slice %arg11[%mul3A_6, %dma_wait3A] : memref<10240x32xf32, #tpu.memory_space<vmem_shared>> -> memref<640x32xf32, #tpu.memory_space<vmem_shared>>
      %dma_wait3A_40 = arith.constant 0 : i32
      %dma_wait3A_41 = tpu.memref_slice %arg5[%mul3A_4, %dma_wait3A_40] : memref<10240x32xf32, #tpu.memory_space<hbm>> -> memref<640x32xf32, #tpu.memory_space<hbm>>
      tpu.wait_dma2 semaphore(%run_scoped3A : memref<!tpu.dma_semaphore, #tpu.memory_space<semaphore_mem>>) src(%dma_wait3A_41 : memref<640x32xf32, #tpu.memory_space<hbm>>) dst(%dma_wait3A_39 : memref<640x32xf32, #tpu.memory_space<vmem_shared>>)
      tpu.yield
    }) : () -> ()
    %mul3A_7 = arith.constant 16 : i32
    %mul3A_8 = arith.muli %arg0, %mul3A_7 : i32
    %add3A = arith.addi %mul3A_8, %arg1 : i32
    %mul3A_9 = arith.constant 40 : i32
    %mul3A_10 = arith.muli %add3A, %mul3A_9 : i32
    "tpu.region"() ({
      %run_scoped3A = tpu.sem_alloc : memref<!tpu.dma_semaphore, #tpu.memory_space<semaphore_mem>>
      %dma_start3A_35 = arith.constant 0 : i32
      %dma_start3A_36 = tpu.memref_slice %arg3[%mul3A_10, %dma_start3A_35] : memref<1280x128xi32, #tpu.memory_space<hbm>> -> memref<40x128xi32, #tpu.memory_space<hbm>>
      %dma_start3A_37 = arith.constant 0 : i32
      %dma_start3A_38 = tpu.memref_slice %arg3[%mul3A_10, %dma_start3A_37] : memref<1280x128xi32, #tpu.memory_space<hbm>> -> memref<40x128xi32, #tpu.memory_space<hbm>>
      tpu.enqueue_dma source(%dma_start3A_38 : memref<40x128xi32, #tpu.memory_space<hbm>>) target(%arg7 : memref<40x128xi32, #tpu.memory_space<vmem>>) target_semaphore(%run_scoped3A : memref<!tpu.dma_semaphore, #tpu.memory_space<semaphore_mem>>)
      %dma_wait3A = arith.constant 0 : i32
      %dma_wait3A_39 = tpu.memref_slice %arg3[%mul3A_10, %dma_wait3A] : memref<1280x128xi32, #tpu.memory_space<hbm>> -> memref<40x128xi32, #tpu.memory_space<hbm>>
      %dma_wait3A_40 = arith.constant 0 : i32
      %dma_wait3A_41 = tpu.memref_slice %arg3[%mul3A_10, %dma_wait3A_40] : memref<1280x128xi32, #tpu.memory_space<hbm>> -> memref<40x128xi32, #tpu.memory_space<hbm>>
      tpu.wait_dma2 semaphore(%run_scoped3A : memref<!tpu.dma_semaphore, #tpu.memory_space<semaphore_mem>>) src(%dma_wait3A_41 : memref<40x128xi32, #tpu.memory_space<hbm>>) dst(%arg7 : memref<40x128xi32, #tpu.memory_space<vmem>>)
      tpu.yield
    }) : () -> ()
    "tpu.region"() ({
      %run_scoped3A = tpu.sem_alloc : memref<!tpu.dma_semaphore, #tpu.memory_space<semaphore_mem>>
      %dma_start3A_35 = arith.constant 0 : i32
      %dma_start3A_36 = tpu.memref_slice %arg4[%mul3A_10, %dma_start3A_35] : memref<1280x128xi32, #tpu.memory_space<hbm>> -> memref<40x128xi32, #tpu.memory_space<hbm>>
      %dma_start3A_37 = arith.constant 0 : i32
      %dma_start3A_38 = tpu.memref_slice %arg4[%mul3A_10, %dma_start3A_37] : memref<1280x128xi32, #tpu.memory_space<hbm>> -> memref<40x128xi32, #tpu.memory_space<hbm>>
      tpu.enqueue_dma source(%dma_start3A_38 : memref<40x128xi32, #tpu.memory_space<hbm>>) target(%arg8 : memref<40x128xi32, #tpu.memory_space<vmem>>) target_semaphore(%run_scoped3A : memref<!tpu.dma_semaphore, #tpu.memory_space<semaphore_mem>>)
      %dma_wait3A = arith.constant 0 : i32
      %dma_wait3A_39 = tpu.memref_slice %arg4[%mul3A_10, %dma_wait3A] : memref<1280x128xi32, #tpu.memory_space<hbm>> -> memref<40x128xi32, #tpu.memory_space<hbm>>
      %dma_wait3A_40 = arith.constant 0 : i32
      %dma_wait3A_41 = tpu.memref_slice %arg4[%mul3A_10, %dma_wait3A_40] : memref<1280x128xi32, #tpu.memory_space<hbm>> -> memref<40x128xi32, #tpu.memory_space<hbm>>
      tpu.wait_dma2 semaphore(%run_scoped3A : memref<!tpu.dma_semaphore, #tpu.memory_space<semaphore_mem>>) src(%dma_wait3A_41 : memref<40x128xi32, #tpu.memory_space<hbm>>) dst(%arg8 : memref<40x128xi32, #tpu.memory_space<vmem>>)
      tpu.yield
    }) : () -> ()
    "tpu.trace_stop"() : () -> ()
    "tpu.trace_start"() <{level = 10 : i32, message = "bar1"}> : () -> ()
    %barrier3A = arith.constant 0 : index
    tpu.barrier barrier_id(%barrier3A)
    %dma_start3A = arith.constant 0 : i32
    %dma_start3A_11 = arith.constant 0 : i32
    "tpu.trace_stop"() : () -> ()
    %dma_start3A_12 = arith.constant 0 : i32
    %dma_start3A_13 = arith.constant 0 : i32
    %dma_start3A_14 = tpu.memref_slice %arg9[%dma_start3A_11, %dma_start3A_12, %dma_start3A_13] : memref<2x128x32xf32, #tpu.memory_space<vmem>> -> memref<1x128x32xf32, #tpu.memory_space<vmem>>
    %dma_start3A_15 = tpu.memref_squeeze %dma_start3A_14 : memref<1x128x32xf32, #tpu.memory_space<vmem>> -> memref<128x32xf32, #tpu.memory_space<vmem>>
    %dma_start3A_16 = arith.constant 0 : i32
    %dma_start3A_17 = tpu.memref_slice %arg7[%dma_start3A, %dma_start3A_16] : memref<40x128xi32, #tpu.memory_space<vmem>> -> memref<1x128xi32, #tpu.memory_space<vmem>>
    %dma_start3A_18 = tpu.memref_squeeze %dma_start3A_17 : memref<1x128xi32, #tpu.memory_space<vmem>> -> memref<128xi32, #tpu.memory_space<vmem>>
    %dma_start3A_19 = arith.constant 0 : i32
    %dma_start3A_20 = arith.constant 0 : i32
    %dma_start3A_21 = tpu.memref_slice %arg10[%dma_start3A_19, %dma_start3A_20] : memref<10000x32xf32, #tpu.memory_space<vmem_shared>> -> memref<10000x32xf32, #tpu.memory_space<vmem_shared>>
    tpu.enqueue_indirect_dma source(%dma_start3A_21 : memref<10000x32xf32, #tpu.memory_space<vmem_shared>>) target(%dma_start3A_15 : memref<128x32xf32, #tpu.memory_space<vmem>>) offsets(%dma_start3A_18 : memref<128xi32, #tpu.memory_space<vmem>>) semaphore(%arg12 : memref<!tpu.dma_semaphore, #tpu.memory_space<semaphore_mem>>)
    "tpu.trace_start"() <{level = 10 : i32, message = "edges"}> : () -> ()
    %scan3A = arith.constant 0 : i32
    %scan3A_22 = arith.constant 0 : i32
    %scan3A_23 = arith.constant 40 : i32
    %scan3A_24 = arith.addi %scan3A_22, %scan3A_23 : i32
    %scan3A_25 = arith.constant 1 : i32
    scf.for %scan3A_35 = %scan3A_22 to %scan3A_24 step %scan3A_25  : i32 {
      %rem3A = arith.constant 2 : i32
      %rem3A_36 = arith.remsi %scan3A_35, %rem3A : i32
      %dma_wait3A = arith.constant 0 : i32
      %dma_wait3A_37 = arith.constant 0 : i32
      %dma_wait3A_38 = tpu.memref_slice %arg9[%rem3A_36, %dma_wait3A, %dma_wait3A_37] : memref<2x128x32xf32, #tpu.memory_space<vmem>> -> memref<1x128x32xf32, #tpu.memory_space<vmem>>
      %dma_wait3A_39 = tpu.memref_squeeze %dma_wait3A_38 : memref<1x128x32xf32, #tpu.memory_space<vmem>> -> memref<128x32xf32, #tpu.memory_space<vmem>>
      %dma_wait3A_40 = arith.constant 0 : i32
      %dma_wait3A_41 = tpu.memref_slice %arg7[%scan3A_35, %dma_wait3A_40] : memref<40x128xi32, #tpu.memory_space<vmem>> -> memref<1x128xi32, #tpu.memory_space<vmem>>
      %dma_wait3A_42 = tpu.memref_squeeze %dma_wait3A_41 : memref<1x128xi32, #tpu.memory_space<vmem>> -> memref<128xi32, #tpu.memory_space<vmem>>
      %dma_wait3A_43 = arith.constant 0 : i32
      %dma_wait3A_44 = arith.constant 0 : i32
      %dma_wait3A_45 = tpu.memref_slice %arg10[%dma_wait3A_43, %dma_wait3A_44] : memref<10000x32xf32, #tpu.memory_space<vmem_shared>> -> memref<10000x32xf32, #tpu.memory_space<vmem_shared>>
      tpu.wait_indirect_dma semaphore(%arg12 : memref<!tpu.dma_semaphore, #tpu.memory_space<semaphore_mem>>) src(%dma_wait3A_45 : memref<10000x32xf32, #tpu.memory_space<vmem_shared>>) dst(%dma_wait3A_39 : memref<128x32xf32, #tpu.memory_space<vmem>>)
      %add3A_46 = arith.constant 1 : i32
      %add3A_47 = arith.addi %scan3A_35, %add3A_46 : i32
      %lt3A = arith.constant 40 : i32
      %lt3A_48 = arith.cmpi slt, %add3A_47, %lt3A : i32
      %convert_element_type3A = arith.extui %lt3A_48 : i1 to i32
      %cond3A = arith.constant 0 : i32
      %cond3A_49 = arith.cmpi ne, %convert_element_type3A, %cond3A : i32
      scf.if %cond3A_49 {
        %add3A_50 = arith.constant 1 : i32
        %add3A_51 = arith.addi %scan3A_35, %add3A_50 : i32
        %sub3A = arith.constant 1 : i32
        %sub3A_52 = arith.subi %sub3A, %rem3A_36 : i32
        %dma_start3A_53 = arith.constant 0 : i32
        %dma_start3A_54 = arith.constant 0 : i32
        %dma_start3A_55 = tpu.memref_slice %arg9[%sub3A_52, %dma_start3A_53, %dma_start3A_54] : memref<2x128x32xf32, #tpu.memory_space<vmem>> -> memref<1x128x32xf32, #tpu.memory_space<vmem>>
        %dma_start3A_56 = tpu.memref_squeeze %dma_start3A_55 : memref<1x128x32xf32, #tpu.memory_space<vmem>> -> memref<128x32xf32, #tpu.memory_space<vmem>>
        %dma_start3A_57 = arith.constant 0 : i32
        %dma_start3A_58 = tpu.memref_slice %arg7[%add3A_51, %dma_start3A_57] : memref<40x128xi32, #tpu.memory_space<vmem>> -> memref<1x128xi32, #tpu.memory_space<vmem>>
        %dma_start3A_59 = tpu.memref_squeeze %dma_start3A_58 : memref<1x128xi32, #tpu.memory_space<vmem>> -> memref<128xi32, #tpu.memory_space<vmem>>
        %dma_start3A_60 = arith.constant 0 : i32
        %dma_start3A_61 = arith.constant 0 : i32
        %dma_start3A_62 = tpu.memref_slice %arg10[%dma_start3A_60, %dma_start3A_61] : memref<10000x32xf32, #tpu.memory_space<vmem_shared>> -> memref<10000x32xf32, #tpu.memory_space<vmem_shared>>
        tpu.enqueue_indirect_dma source(%dma_start3A_62 : memref<10000x32xf32, #tpu.memory_space<vmem_shared>>) target(%dma_start3A_56 : memref<128x32xf32, #tpu.memory_space<vmem>>) offsets(%dma_start3A_59 : memref<128xi32, #tpu.memory_space<vmem>>) semaphore(%arg12 : memref<!tpu.dma_semaphore, #tpu.memory_space<semaphore_mem>>)
      } else {
      }
      "tpu.region"() ({
        %run_scoped3A = tpu.sem_alloc : memref<!tpu.dma_semaphore, #tpu.memory_space<semaphore_mem>>
        %dma_start3A_50 = arith.constant 0 : i32
        %dma_start3A_51 = arith.constant 0 : i32
        %dma_start3A_52 = tpu.memref_slice %arg9[%rem3A_36, %dma_start3A_50, %dma_start3A_51] : memref<2x128x32xf32, #tpu.memory_space<vmem>> -> memref<1x128x32xf32, #tpu.memory_space<vmem>>
        %dma_start3A_53 = tpu.memref_squeeze %dma_start3A_52 : memref<1x128x32xf32, #tpu.memory_space<vmem>> -> memref<128x32xf32, #tpu.memory_space<vmem>>
        %dma_start3A_54 = arith.constant 0 : i32
        %dma_start3A_55 = tpu.memref_slice %arg8[%scan3A_35, %dma_start3A_54] : memref<40x128xi32, #tpu.memory_space<vmem>> -> memref<1x128xi32, #tpu.memory_space<vmem>>
        %dma_start3A_56 = tpu.memref_squeeze %dma_start3A_55 : memref<1x128xi32, #tpu.memory_space<vmem>> -> memref<128xi32, #tpu.memory_space<vmem>>
        %dma_start3A_57 = arith.constant 0 : i32
        %dma_start3A_58 = arith.constant 0 : i32
        %dma_start3A_59 = tpu.memref_slice %arg11[%dma_start3A_57, %dma_start3A_58] : memref<10240x32xf32, #tpu.memory_space<vmem_shared>> -> memref<10240x32xf32, #tpu.memory_space<vmem_shared>>
        tpu.enqueue_indirect_dma source(%dma_start3A_53 : memref<128x32xf32, #tpu.memory_space<vmem>>) target(%dma_start3A_59 : memref<10240x32xf32, #tpu.memory_space<vmem_shared>>) offsets(%dma_start3A_56 : memref<128xi32, #tpu.memory_space<vmem>>) semaphore(%run_scoped3A : memref<!tpu.dma_semaphore, #tpu.memory_space<semaphore_mem>>) {add = true}
        %dma_wait3A_60 = arith.constant 0 : i32
        %dma_wait3A_61 = arith.constant 0 : i32
        %dma_wait3A_62 = tpu.memref_slice %arg9[%rem3A_36, %dma_wait3A_60, %dma_wait3A_61] : memref<2x128x32xf32, #tpu.memory_space<vmem>> -> memref<1x128x32xf32, #tpu.memory_space<vmem>>
        %dma_wait3A_63 = tpu.memref_squeeze %dma_wait3A_62 : memref<1x128x32xf32, #tpu.memory_space<vmem>> -> memref<128x32xf32, #tpu.memory_space<vmem>>
        %dma_wait3A_64 = arith.constant 0 : i32
        %dma_wait3A_65 = tpu.memref_slice %arg8[%scan3A_35, %dma_wait3A_64] : memref<40x128xi32, #tpu.memory_space<vmem>> -> memref<1x128xi32, #tpu.memory_space<vmem>>
        %dma_wait3A_66 = tpu.memref_squeeze %dma_wait3A_65 : memref<1x128xi32, #tpu.memory_space<vmem>> -> memref<128xi32, #tpu.memory_space<vmem>>
        %dma_wait3A_67 = arith.constant 0 : i32
        %dma_wait3A_68 = arith.constant 0 : i32
        %dma_wait3A_69 = tpu.memref_slice %arg11[%dma_wait3A_67, %dma_wait3A_68] : memref<10240x32xf32, #tpu.memory_space<vmem_shared>> -> memref<10240x32xf32, #tpu.memory_space<vmem_shared>>
        tpu.wait_indirect_dma semaphore(%run_scoped3A : memref<!tpu.dma_semaphore, #tpu.memory_space<semaphore_mem>>) src(%dma_wait3A_63 : memref<128x32xf32, #tpu.memory_space<vmem>>) dst(%dma_wait3A_69 : memref<10240x32xf32, #tpu.memory_space<vmem_shared>>)
        tpu.yield
      }) : () -> ()
    }
    %scan3A_26 = arith.constant 40 : i32
    "tpu.trace_stop"() : () -> ()
    "tpu.trace_start"() <{level = 10 : i32, message = "bar2"}> : () -> ()
    %barrier3A_27 = arith.constant 0 : index
    tpu.barrier barrier_id(%barrier3A_27)
    "tpu.trace_stop"() : () -> ()
    "tpu.trace_start"() <{level = 10 : i32, message = "wb"}> : () -> ()
    %mul3A_28 = arith.constant 640 : i32
    %mul3A_29 = arith.muli %arg1, %mul3A_28 : i32
    %mul3A_30 = arith.constant 10240 : i32
    %mul3A_31 = arith.muli %arg0, %mul3A_30 : i32
    %mul3A_32 = arith.constant 640 : i32
    %mul3A_33 = arith.muli %arg1, %mul3A_32 : i32
    %add3A_34 = arith.addi %mul3A_31, %mul3A_33 : i32
    "tpu.region"() ({
      %run_scoped3A = tpu.sem_alloc : memref<!tpu.dma_semaphore, #tpu.memory_space<semaphore_mem>>
      %dma_start3A_35 = arith.constant 0 : i32
      %dma_start3A_36 = tpu.memref_slice %arg6[%add3A_34, %dma_start3A_35] : memref<20480x32xf32, #tpu.memory_space<hbm>> -> memref<640x32xf32, #tpu.memory_space<hbm>>
      %dma_start3A_37 = arith.constant 0 : i32
      %dma_start3A_38 = tpu.memref_slice %arg11[%mul3A_29, %dma_start3A_37] : memref<10240x32xf32, #tpu.memory_space<vmem_shared>> -> memref<640x32xf32, #tpu.memory_space<vmem_shared>>
      tpu.enqueue_dma source(%dma_start3A_38 : memref<640x32xf32, #tpu.memory_space<vmem_shared>>) target(%dma_start3A_36 : memref<640x32xf32, #tpu.memory_space<hbm>>) target_semaphore(%run_scoped3A : memref<!tpu.dma_semaphore, #tpu.memory_space<semaphore_mem>>)
      %dma_wait3A = arith.constant 0 : i32
      %dma_wait3A_39 = tpu.memref_slice %arg6[%add3A_34, %dma_wait3A] : memref<20480x32xf32, #tpu.memory_space<hbm>> -> memref<640x32xf32, #tpu.memory_space<hbm>>
      %dma_wait3A_40 = arith.constant 0 : i32
      %dma_wait3A_41 = tpu.memref_slice %arg11[%mul3A_29, %dma_wait3A_40] : memref<10240x32xf32, #tpu.memory_space<vmem_shared>> -> memref<640x32xf32, #tpu.memory_space<vmem_shared>>
      tpu.wait_dma2 semaphore(%run_scoped3A : memref<!tpu.dma_semaphore, #tpu.memory_space<semaphore_mem>>) src(%dma_wait3A_41 : memref<640x32xf32, #tpu.memory_space<vmem_shared>>) dst(%dma_wait3A_39 : memref<640x32xf32, #tpu.memory_space<hbm>>)
      tpu.yield
    }) : () -> ()
    "tpu.trace_stop"() : () -> ()
    return
  }
}

#map = affine_map<(d0, d1) -> (0, 0)>
module attributes {stable_mosaic.version = 14 : i64} {
  func.func @sc_kernel(%arg0: i32, %arg1: i32, %arg2: memref<10240x32xf32, #tpu.memory_space<hbm>>, %arg3: memref<1280x128xi32, #tpu.memory_space<hbm>>, %arg4: memref<1280x128xi32, #tpu.memory_space<hbm>>, %arg5: memref<10240x32xf32, #tpu.memory_space<hbm>>, %arg6: memref<10240x16xf32, #tpu.memory_space<hbm>>, %arg7: memref<128x16xf32, #tpu.memory_space<hbm>>, %arg8: memref<20480x32xf32, #tpu.memory_space<hbm>>, %arg9: memref<20480x16xf32, #tpu.memory_space<hbm>>, %arg10: memref<40x128xi32, #tpu.memory_space<vmem>>, %arg11: memref<40x128xi32, #tpu.memory_space<vmem>>, %arg12: memref<2x128x32xf32, #tpu.memory_space<vmem>>, %arg13: memref<10000x32xf32, #tpu.memory_space<vmem_shared>>, %arg14: memref<10240x32xf32, #tpu.memory_space<vmem_shared>>, %arg15: memref<!tpu.dma_semaphore, #tpu.memory_space<semaphore_mem>>, %arg16: memref<128x16xf32, #tpu.memory_space<vmem>>, %arg17: memref<10240x16xf32, #tpu.memory_space<vmem_shared>>) attributes {dimension_semantics = [#tpu.dimension_semantics<core_parallel>, #tpu.dimension_semantics<subcore_parallel>], iteration_bounds = array<i64: 2, 16>, scalar_prefetch = 0 : i64, scratch_operands = 8 : i64, tpu.core_type = #tpu.core_type<sc_vector_subcore>, window_params = [{transform_indices = #map}, {transform_indices = #map}, {transform_indices = #map}, {transform_indices = #map}, {transform_indices = #map}, {transform_indices = #map}, {transform_indices = #map}, {transform_indices = #map}]} {
    "tpu.trace_start"() <{level = 10 : i32, message = "stage"}> : () -> ()
    %mul3A = arith.constant 625 : i32
    %mul3A_0 = arith.muli %arg1, %mul3A : i32
    %mul3A_1 = arith.constant 625 : i32
    %mul3A_2 = arith.muli %arg1, %mul3A_1 : i32
    "tpu.region"() ({
      %run_scoped3A = tpu.sem_alloc : memref<!tpu.dma_semaphore, #tpu.memory_space<semaphore_mem>>
      %dma_start3A_46 = arith.constant 0 : i32
      %dma_start3A_47 = tpu.memref_slice %arg13[%mul3A_2, %dma_start3A_46] : memref<10000x32xf32, #tpu.memory_space<vmem_shared>> -> memref<625x32xf32, #tpu.memory_space<vmem_shared>>
      %dma_start3A_48 = arith.constant 0 : i32
      %dma_start3A_49 = tpu.memref_slice %arg2[%mul3A_0, %dma_start3A_48] : memref<10240x32xf32, #tpu.memory_space<hbm>> -> memref<625x32xf32, #tpu.memory_space<hbm>>
      tpu.enqueue_dma source(%dma_start3A_49 : memref<625x32xf32, #tpu.memory_space<hbm>>) target(%dma_start3A_47 : memref<625x32xf32, #tpu.memory_space<vmem_shared>>) target_semaphore(%run_scoped3A : memref<!tpu.dma_semaphore, #tpu.memory_space<semaphore_mem>>)
      %dma_wait3A = arith.constant 0 : i32
      %dma_wait3A_50 = tpu.memref_slice %arg13[%mul3A_2, %dma_wait3A] : memref<10000x32xf32, #tpu.memory_space<vmem_shared>> -> memref<625x32xf32, #tpu.memory_space<vmem_shared>>
      %dma_wait3A_51 = arith.constant 0 : i32
      %dma_wait3A_52 = tpu.memref_slice %arg2[%mul3A_0, %dma_wait3A_51] : memref<10240x32xf32, #tpu.memory_space<hbm>> -> memref<625x32xf32, #tpu.memory_space<hbm>>
      tpu.wait_dma2 semaphore(%run_scoped3A : memref<!tpu.dma_semaphore, #tpu.memory_space<semaphore_mem>>) src(%dma_wait3A_52 : memref<625x32xf32, #tpu.memory_space<hbm>>) dst(%dma_wait3A_50 : memref<625x32xf32, #tpu.memory_space<vmem_shared>>)
      tpu.yield
    }) : () -> ()
    %mul3A_3 = arith.constant 640 : i32
    %mul3A_4 = arith.muli %arg1, %mul3A_3 : i32
    %mul3A_5 = arith.constant 640 : i32
    %mul3A_6 = arith.muli %arg1, %mul3A_5 : i32
    "tpu.region"() ({
      %run_scoped3A = tpu.sem_alloc : memref<!tpu.dma_semaphore, #tpu.memory_space<semaphore_mem>>
      %dma_start3A_46 = arith.constant 0 : i32
      %dma_start3A_47 = tpu.memref_slice %arg14[%mul3A_6, %dma_start3A_46] : memref<10240x32xf32, #tpu.memory_space<vmem_shared>> -> memref<640x32xf32, #tpu.memory_space<vmem_shared>>
      %dma_start3A_48 = arith.constant 0 : i32
      %dma_start3A_49 = tpu.memref_slice %arg5[%mul3A_4, %dma_start3A_48] : memref<10240x32xf32, #tpu.memory_space<hbm>> -> memref<640x32xf32, #tpu.memory_space<hbm>>
      tpu.enqueue_dma source(%dma_start3A_49 : memref<640x32xf32, #tpu.memory_space<hbm>>) target(%dma_start3A_47 : memref<640x32xf32, #tpu.memory_space<vmem_shared>>) target_semaphore(%run_scoped3A : memref<!tpu.dma_semaphore, #tpu.memory_space<semaphore_mem>>)
      %dma_wait3A = arith.constant 0 : i32
      %dma_wait3A_50 = tpu.memref_slice %arg14[%mul3A_6, %dma_wait3A] : memref<10240x32xf32, #tpu.memory_space<vmem_shared>> -> memref<640x32xf32, #tpu.memory_space<vmem_shared>>
      %dma_wait3A_51 = arith.constant 0 : i32
      %dma_wait3A_52 = tpu.memref_slice %arg5[%mul3A_4, %dma_wait3A_51] : memref<10240x32xf32, #tpu.memory_space<hbm>> -> memref<640x32xf32, #tpu.memory_space<hbm>>
      tpu.wait_dma2 semaphore(%run_scoped3A : memref<!tpu.dma_semaphore, #tpu.memory_space<semaphore_mem>>) src(%dma_wait3A_52 : memref<640x32xf32, #tpu.memory_space<hbm>>) dst(%dma_wait3A_50 : memref<640x32xf32, #tpu.memory_space<vmem_shared>>)
      tpu.yield
    }) : () -> ()
    %mul3A_7 = arith.constant 640 : i32
    %mul3A_8 = arith.muli %arg1, %mul3A_7 : i32
    %mul3A_9 = arith.constant 640 : i32
    %mul3A_10 = arith.muli %arg1, %mul3A_9 : i32
    "tpu.region"() ({
      %run_scoped3A = tpu.sem_alloc : memref<!tpu.dma_semaphore, #tpu.memory_space<semaphore_mem>>
      %dma_start3A_46 = arith.constant 0 : i32
      %dma_start3A_47 = tpu.memref_slice %arg17[%mul3A_10, %dma_start3A_46] : memref<10240x16xf32, #tpu.memory_space<vmem_shared>> -> memref<640x16xf32, #tpu.memory_space<vmem_shared>>
      %dma_start3A_48 = arith.constant 0 : i32
      %dma_start3A_49 = tpu.memref_slice %arg6[%mul3A_8, %dma_start3A_48] : memref<10240x16xf32, #tpu.memory_space<hbm>> -> memref<640x16xf32, #tpu.memory_space<hbm>>
      tpu.enqueue_dma source(%dma_start3A_49 : memref<640x16xf32, #tpu.memory_space<hbm>>) target(%dma_start3A_47 : memref<640x16xf32, #tpu.memory_space<vmem_shared>>) target_semaphore(%run_scoped3A : memref<!tpu.dma_semaphore, #tpu.memory_space<semaphore_mem>>)
      %dma_wait3A = arith.constant 0 : i32
      %dma_wait3A_50 = tpu.memref_slice %arg17[%mul3A_10, %dma_wait3A] : memref<10240x16xf32, #tpu.memory_space<vmem_shared>> -> memref<640x16xf32, #tpu.memory_space<vmem_shared>>
      %dma_wait3A_51 = arith.constant 0 : i32
      %dma_wait3A_52 = tpu.memref_slice %arg6[%mul3A_8, %dma_wait3A_51] : memref<10240x16xf32, #tpu.memory_space<hbm>> -> memref<640x16xf32, #tpu.memory_space<hbm>>
      tpu.wait_dma2 semaphore(%run_scoped3A : memref<!tpu.dma_semaphore, #tpu.memory_space<semaphore_mem>>) src(%dma_wait3A_52 : memref<640x16xf32, #tpu.memory_space<hbm>>) dst(%dma_wait3A_50 : memref<640x16xf32, #tpu.memory_space<vmem_shared>>)
      tpu.yield
    }) : () -> ()
    "tpu.region"() ({
      %run_scoped3A = tpu.sem_alloc : memref<!tpu.dma_semaphore, #tpu.memory_space<semaphore_mem>>
      tpu.enqueue_dma source(%arg7 : memref<128x16xf32, #tpu.memory_space<hbm>>) target(%arg16 : memref<128x16xf32, #tpu.memory_space<vmem>>) target_semaphore(%run_scoped3A : memref<!tpu.dma_semaphore, #tpu.memory_space<semaphore_mem>>)
      tpu.wait_dma2 semaphore(%run_scoped3A : memref<!tpu.dma_semaphore, #tpu.memory_space<semaphore_mem>>) src(%arg7 : memref<128x16xf32, #tpu.memory_space<hbm>>) dst(%arg16 : memref<128x16xf32, #tpu.memory_space<vmem>>)
      tpu.yield
    }) : () -> ()
    %mul3A_11 = arith.constant 16 : i32
    %mul3A_12 = arith.muli %arg0, %mul3A_11 : i32
    %add3A = arith.addi %mul3A_12, %arg1 : i32
    %mul3A_13 = arith.constant 40 : i32
    %mul3A_14 = arith.muli %add3A, %mul3A_13 : i32
    "tpu.region"() ({
      %run_scoped3A = tpu.sem_alloc : memref<!tpu.dma_semaphore, #tpu.memory_space<semaphore_mem>>
      %dma_start3A_46 = arith.constant 0 : i32
      %dma_start3A_47 = tpu.memref_slice %arg3[%mul3A_14, %dma_start3A_46] : memref<1280x128xi32, #tpu.memory_space<hbm>> -> memref<40x128xi32, #tpu.memory_space<hbm>>
      %dma_start3A_48 = arith.constant 0 : i32
      %dma_start3A_49 = tpu.memref_slice %arg3[%mul3A_14, %dma_start3A_48] : memref<1280x128xi32, #tpu.memory_space<hbm>> -> memref<40x128xi32, #tpu.memory_space<hbm>>
      tpu.enqueue_dma source(%dma_start3A_49 : memref<40x128xi32, #tpu.memory_space<hbm>>) target(%arg10 : memref<40x128xi32, #tpu.memory_space<vmem>>) target_semaphore(%run_scoped3A : memref<!tpu.dma_semaphore, #tpu.memory_space<semaphore_mem>>)
      %dma_wait3A = arith.constant 0 : i32
      %dma_wait3A_50 = tpu.memref_slice %arg3[%mul3A_14, %dma_wait3A] : memref<1280x128xi32, #tpu.memory_space<hbm>> -> memref<40x128xi32, #tpu.memory_space<hbm>>
      %dma_wait3A_51 = arith.constant 0 : i32
      %dma_wait3A_52 = tpu.memref_slice %arg3[%mul3A_14, %dma_wait3A_51] : memref<1280x128xi32, #tpu.memory_space<hbm>> -> memref<40x128xi32, #tpu.memory_space<hbm>>
      tpu.wait_dma2 semaphore(%run_scoped3A : memref<!tpu.dma_semaphore, #tpu.memory_space<semaphore_mem>>) src(%dma_wait3A_52 : memref<40x128xi32, #tpu.memory_space<hbm>>) dst(%arg10 : memref<40x128xi32, #tpu.memory_space<vmem>>)
      tpu.yield
    }) : () -> ()
    "tpu.region"() ({
      %run_scoped3A = tpu.sem_alloc : memref<!tpu.dma_semaphore, #tpu.memory_space<semaphore_mem>>
      %dma_start3A_46 = arith.constant 0 : i32
      %dma_start3A_47 = tpu.memref_slice %arg4[%mul3A_14, %dma_start3A_46] : memref<1280x128xi32, #tpu.memory_space<hbm>> -> memref<40x128xi32, #tpu.memory_space<hbm>>
      %dma_start3A_48 = arith.constant 0 : i32
      %dma_start3A_49 = tpu.memref_slice %arg4[%mul3A_14, %dma_start3A_48] : memref<1280x128xi32, #tpu.memory_space<hbm>> -> memref<40x128xi32, #tpu.memory_space<hbm>>
      tpu.enqueue_dma source(%dma_start3A_49 : memref<40x128xi32, #tpu.memory_space<hbm>>) target(%arg11 : memref<40x128xi32, #tpu.memory_space<vmem>>) target_semaphore(%run_scoped3A : memref<!tpu.dma_semaphore, #tpu.memory_space<semaphore_mem>>)
      %dma_wait3A = arith.constant 0 : i32
      %dma_wait3A_50 = tpu.memref_slice %arg4[%mul3A_14, %dma_wait3A] : memref<1280x128xi32, #tpu.memory_space<hbm>> -> memref<40x128xi32, #tpu.memory_space<hbm>>
      %dma_wait3A_51 = arith.constant 0 : i32
      %dma_wait3A_52 = tpu.memref_slice %arg4[%mul3A_14, %dma_wait3A_51] : memref<1280x128xi32, #tpu.memory_space<hbm>> -> memref<40x128xi32, #tpu.memory_space<hbm>>
      tpu.wait_dma2 semaphore(%run_scoped3A : memref<!tpu.dma_semaphore, #tpu.memory_space<semaphore_mem>>) src(%dma_wait3A_52 : memref<40x128xi32, #tpu.memory_space<hbm>>) dst(%arg11 : memref<40x128xi32, #tpu.memory_space<vmem>>)
      tpu.yield
    }) : () -> ()
    "tpu.trace_stop"() : () -> ()
    "tpu.trace_start"() <{level = 10 : i32, message = "bar1"}> : () -> ()
    %barrier3A = arith.constant 0 : index
    tpu.barrier barrier_id(%barrier3A)
    %dma_start3A = arith.constant 0 : i32
    %dma_start3A_15 = arith.constant 0 : i32
    "tpu.trace_stop"() : () -> ()
    %dma_start3A_16 = arith.constant 0 : i32
    %dma_start3A_17 = arith.constant 0 : i32
    %dma_start3A_18 = tpu.memref_slice %arg12[%dma_start3A_15, %dma_start3A_16, %dma_start3A_17] : memref<2x128x32xf32, #tpu.memory_space<vmem>> -> memref<1x128x32xf32, #tpu.memory_space<vmem>>
    %dma_start3A_19 = tpu.memref_squeeze %dma_start3A_18 : memref<1x128x32xf32, #tpu.memory_space<vmem>> -> memref<128x32xf32, #tpu.memory_space<vmem>>
    %dma_start3A_20 = arith.constant 0 : i32
    %dma_start3A_21 = tpu.memref_slice %arg10[%dma_start3A, %dma_start3A_20] : memref<40x128xi32, #tpu.memory_space<vmem>> -> memref<1x128xi32, #tpu.memory_space<vmem>>
    %dma_start3A_22 = tpu.memref_squeeze %dma_start3A_21 : memref<1x128xi32, #tpu.memory_space<vmem>> -> memref<128xi32, #tpu.memory_space<vmem>>
    %dma_start3A_23 = arith.constant 0 : i32
    %dma_start3A_24 = arith.constant 0 : i32
    %dma_start3A_25 = tpu.memref_slice %arg13[%dma_start3A_23, %dma_start3A_24] : memref<10000x32xf32, #tpu.memory_space<vmem_shared>> -> memref<10000x32xf32, #tpu.memory_space<vmem_shared>>
    tpu.enqueue_indirect_dma source(%dma_start3A_25 : memref<10000x32xf32, #tpu.memory_space<vmem_shared>>) target(%dma_start3A_19 : memref<128x32xf32, #tpu.memory_space<vmem>>) offsets(%dma_start3A_22 : memref<128xi32, #tpu.memory_space<vmem>>) semaphore(%arg15 : memref<!tpu.dma_semaphore, #tpu.memory_space<semaphore_mem>>)
    "tpu.trace_start"() <{level = 10 : i32, message = "edges"}> : () -> ()
    %scan3A = arith.constant 0 : i32
    %scan3A_26 = arith.constant 0 : i32
    %scan3A_27 = arith.constant 40 : i32
    %scan3A_28 = arith.addi %scan3A_26, %scan3A_27 : i32
    %scan3A_29 = arith.constant 1 : i32
    scf.for %scan3A_46 = %scan3A_26 to %scan3A_28 step %scan3A_29  : i32 {
      %rem3A = arith.constant 2 : i32
      %rem3A_47 = arith.remsi %scan3A_46, %rem3A : i32
      %dma_wait3A = arith.constant 0 : i32
      %dma_wait3A_48 = arith.constant 0 : i32
      %dma_wait3A_49 = tpu.memref_slice %arg12[%rem3A_47, %dma_wait3A, %dma_wait3A_48] : memref<2x128x32xf32, #tpu.memory_space<vmem>> -> memref<1x128x32xf32, #tpu.memory_space<vmem>>
      %dma_wait3A_50 = tpu.memref_squeeze %dma_wait3A_49 : memref<1x128x32xf32, #tpu.memory_space<vmem>> -> memref<128x32xf32, #tpu.memory_space<vmem>>
      %dma_wait3A_51 = arith.constant 0 : i32
      %dma_wait3A_52 = tpu.memref_slice %arg10[%scan3A_46, %dma_wait3A_51] : memref<40x128xi32, #tpu.memory_space<vmem>> -> memref<1x128xi32, #tpu.memory_space<vmem>>
      %dma_wait3A_53 = tpu.memref_squeeze %dma_wait3A_52 : memref<1x128xi32, #tpu.memory_space<vmem>> -> memref<128xi32, #tpu.memory_space<vmem>>
      %dma_wait3A_54 = arith.constant 0 : i32
      %dma_wait3A_55 = arith.constant 0 : i32
      %dma_wait3A_56 = tpu.memref_slice %arg13[%dma_wait3A_54, %dma_wait3A_55] : memref<10000x32xf32, #tpu.memory_space<vmem_shared>> -> memref<10000x32xf32, #tpu.memory_space<vmem_shared>>
      tpu.wait_indirect_dma semaphore(%arg15 : memref<!tpu.dma_semaphore, #tpu.memory_space<semaphore_mem>>) src(%dma_wait3A_56 : memref<10000x32xf32, #tpu.memory_space<vmem_shared>>) dst(%dma_wait3A_50 : memref<128x32xf32, #tpu.memory_space<vmem>>)
      %add3A_57 = arith.constant 1 : i32
      %add3A_58 = arith.addi %scan3A_46, %add3A_57 : i32
      %lt3A = arith.constant 40 : i32
      %lt3A_59 = arith.cmpi slt, %add3A_58, %lt3A : i32
      %convert_element_type3A = arith.extui %lt3A_59 : i1 to i32
      %cond3A = arith.constant 0 : i32
      %cond3A_60 = arith.cmpi ne, %convert_element_type3A, %cond3A : i32
      scf.if %cond3A_60 {
        %add3A_61 = arith.constant 1 : i32
        %add3A_62 = arith.addi %scan3A_46, %add3A_61 : i32
        %sub3A = arith.constant 1 : i32
        %sub3A_63 = arith.subi %sub3A, %rem3A_47 : i32
        %dma_start3A_64 = arith.constant 0 : i32
        %dma_start3A_65 = arith.constant 0 : i32
        %dma_start3A_66 = tpu.memref_slice %arg12[%sub3A_63, %dma_start3A_64, %dma_start3A_65] : memref<2x128x32xf32, #tpu.memory_space<vmem>> -> memref<1x128x32xf32, #tpu.memory_space<vmem>>
        %dma_start3A_67 = tpu.memref_squeeze %dma_start3A_66 : memref<1x128x32xf32, #tpu.memory_space<vmem>> -> memref<128x32xf32, #tpu.memory_space<vmem>>
        %dma_start3A_68 = arith.constant 0 : i32
        %dma_start3A_69 = tpu.memref_slice %arg10[%add3A_62, %dma_start3A_68] : memref<40x128xi32, #tpu.memory_space<vmem>> -> memref<1x128xi32, #tpu.memory_space<vmem>>
        %dma_start3A_70 = tpu.memref_squeeze %dma_start3A_69 : memref<1x128xi32, #tpu.memory_space<vmem>> -> memref<128xi32, #tpu.memory_space<vmem>>
        %dma_start3A_71 = arith.constant 0 : i32
        %dma_start3A_72 = arith.constant 0 : i32
        %dma_start3A_73 = tpu.memref_slice %arg13[%dma_start3A_71, %dma_start3A_72] : memref<10000x32xf32, #tpu.memory_space<vmem_shared>> -> memref<10000x32xf32, #tpu.memory_space<vmem_shared>>
        tpu.enqueue_indirect_dma source(%dma_start3A_73 : memref<10000x32xf32, #tpu.memory_space<vmem_shared>>) target(%dma_start3A_67 : memref<128x32xf32, #tpu.memory_space<vmem>>) offsets(%dma_start3A_70 : memref<128xi32, #tpu.memory_space<vmem>>) semaphore(%arg15 : memref<!tpu.dma_semaphore, #tpu.memory_space<semaphore_mem>>)
      } else {
      }
      "tpu.region"() ({
        %run_scoped3A = tpu.sem_alloc : memref<!tpu.dma_semaphore, #tpu.memory_space<semaphore_mem>>
        %dma_start3A_61 = arith.constant 0 : i32
        %dma_start3A_62 = arith.constant 0 : i32
        %dma_start3A_63 = tpu.memref_slice %arg12[%rem3A_47, %dma_start3A_61, %dma_start3A_62] : memref<2x128x32xf32, #tpu.memory_space<vmem>> -> memref<1x128x32xf32, #tpu.memory_space<vmem>>
        %dma_start3A_64 = tpu.memref_squeeze %dma_start3A_63 : memref<1x128x32xf32, #tpu.memory_space<vmem>> -> memref<128x32xf32, #tpu.memory_space<vmem>>
        %dma_start3A_65 = arith.constant 0 : i32
        %dma_start3A_66 = tpu.memref_slice %arg11[%scan3A_46, %dma_start3A_65] : memref<40x128xi32, #tpu.memory_space<vmem>> -> memref<1x128xi32, #tpu.memory_space<vmem>>
        %dma_start3A_67 = tpu.memref_squeeze %dma_start3A_66 : memref<1x128xi32, #tpu.memory_space<vmem>> -> memref<128xi32, #tpu.memory_space<vmem>>
        %dma_start3A_68 = arith.constant 0 : i32
        %dma_start3A_69 = arith.constant 0 : i32
        %dma_start3A_70 = tpu.memref_slice %arg14[%dma_start3A_68, %dma_start3A_69] : memref<10240x32xf32, #tpu.memory_space<vmem_shared>> -> memref<10240x32xf32, #tpu.memory_space<vmem_shared>>
        tpu.enqueue_indirect_dma source(%dma_start3A_64 : memref<128x32xf32, #tpu.memory_space<vmem>>) target(%dma_start3A_70 : memref<10240x32xf32, #tpu.memory_space<vmem_shared>>) offsets(%dma_start3A_67 : memref<128xi32, #tpu.memory_space<vmem>>) semaphore(%run_scoped3A : memref<!tpu.dma_semaphore, #tpu.memory_space<semaphore_mem>>) {add = true}
        %dma_wait3A_71 = arith.constant 0 : i32
        %dma_wait3A_72 = arith.constant 0 : i32
        %dma_wait3A_73 = tpu.memref_slice %arg12[%rem3A_47, %dma_wait3A_71, %dma_wait3A_72] : memref<2x128x32xf32, #tpu.memory_space<vmem>> -> memref<1x128x32xf32, #tpu.memory_space<vmem>>
        %dma_wait3A_74 = tpu.memref_squeeze %dma_wait3A_73 : memref<1x128x32xf32, #tpu.memory_space<vmem>> -> memref<128x32xf32, #tpu.memory_space<vmem>>
        %dma_wait3A_75 = arith.constant 0 : i32
        %dma_wait3A_76 = tpu.memref_slice %arg11[%scan3A_46, %dma_wait3A_75] : memref<40x128xi32, #tpu.memory_space<vmem>> -> memref<1x128xi32, #tpu.memory_space<vmem>>
        %dma_wait3A_77 = tpu.memref_squeeze %dma_wait3A_76 : memref<1x128xi32, #tpu.memory_space<vmem>> -> memref<128xi32, #tpu.memory_space<vmem>>
        %dma_wait3A_78 = arith.constant 0 : i32
        %dma_wait3A_79 = arith.constant 0 : i32
        %dma_wait3A_80 = tpu.memref_slice %arg14[%dma_wait3A_78, %dma_wait3A_79] : memref<10240x32xf32, #tpu.memory_space<vmem_shared>> -> memref<10240x32xf32, #tpu.memory_space<vmem_shared>>
        tpu.wait_indirect_dma semaphore(%run_scoped3A : memref<!tpu.dma_semaphore, #tpu.memory_space<semaphore_mem>>) src(%dma_wait3A_74 : memref<128x32xf32, #tpu.memory_space<vmem>>) dst(%dma_wait3A_80 : memref<10240x32xf32, #tpu.memory_space<vmem_shared>>)
        tpu.yield
      }) : () -> ()
      "tpu.region"() ({
        %run_scoped3A = tpu.sem_alloc : memref<!tpu.dma_semaphore, #tpu.memory_space<semaphore_mem>>
        %dma_start3A_61 = arith.constant 0 : i32
        %dma_start3A_62 = tpu.memref_slice %arg11[%scan3A_46, %dma_start3A_61] : memref<40x128xi32, #tpu.memory_space<vmem>> -> memref<1x128xi32, #tpu.memory_space<vmem>>
        %dma_start3A_63 = tpu.memref_squeeze %dma_start3A_62 : memref<1x128xi32, #tpu.memory_space<vmem>> -> memref<128xi32, #tpu.memory_space<vmem>>
        %dma_start3A_64 = arith.constant 0 : i32
        %dma_start3A_65 = arith.constant 0 : i32
        %dma_start3A_66 = tpu.memref_slice %arg17[%dma_start3A_64, %dma_start3A_65] : memref<10240x16xf32, #tpu.memory_space<vmem_shared>> -> memref<10240x16xf32, #tpu.memory_space<vmem_shared>>
        tpu.enqueue_indirect_dma source(%arg16 : memref<128x16xf32, #tpu.memory_space<vmem>>) target(%dma_start3A_66 : memref<10240x16xf32, #tpu.memory_space<vmem_shared>>) offsets(%dma_start3A_63 : memref<128xi32, #tpu.memory_space<vmem>>) semaphore(%run_scoped3A : memref<!tpu.dma_semaphore, #tpu.memory_space<semaphore_mem>>) {add = true}
        %dma_wait3A_67 = arith.constant 0 : i32
        %dma_wait3A_68 = tpu.memref_slice %arg11[%scan3A_46, %dma_wait3A_67] : memref<40x128xi32, #tpu.memory_space<vmem>> -> memref<1x128xi32, #tpu.memory_space<vmem>>
        %dma_wait3A_69 = tpu.memref_squeeze %dma_wait3A_68 : memref<1x128xi32, #tpu.memory_space<vmem>> -> memref<128xi32, #tpu.memory_space<vmem>>
        %dma_wait3A_70 = arith.constant 0 : i32
        %dma_wait3A_71 = arith.constant 0 : i32
        %dma_wait3A_72 = tpu.memref_slice %arg17[%dma_wait3A_70, %dma_wait3A_71] : memref<10240x16xf32, #tpu.memory_space<vmem_shared>> -> memref<10240x16xf32, #tpu.memory_space<vmem_shared>>
        tpu.wait_indirect_dma semaphore(%run_scoped3A : memref<!tpu.dma_semaphore, #tpu.memory_space<semaphore_mem>>) src(%arg16 : memref<128x16xf32, #tpu.memory_space<vmem>>) dst(%dma_wait3A_72 : memref<10240x16xf32, #tpu.memory_space<vmem_shared>>)
        tpu.yield
      }) : () -> ()
    }
    %scan3A_30 = arith.constant 40 : i32
    "tpu.trace_stop"() : () -> ()
    "tpu.trace_start"() <{level = 10 : i32, message = "bar2"}> : () -> ()
    %barrier3A_31 = arith.constant 0 : index
    tpu.barrier barrier_id(%barrier3A_31)
    "tpu.trace_stop"() : () -> ()
    "tpu.trace_start"() <{level = 10 : i32, message = "wb"}> : () -> ()
    %mul3A_32 = arith.constant 640 : i32
    %mul3A_33 = arith.muli %arg1, %mul3A_32 : i32
    %mul3A_34 = arith.constant 10240 : i32
    %mul3A_35 = arith.muli %arg0, %mul3A_34 : i32
    %mul3A_36 = arith.constant 640 : i32
    %mul3A_37 = arith.muli %arg1, %mul3A_36 : i32
    %add3A_38 = arith.addi %mul3A_35, %mul3A_37 : i32
    "tpu.region"() ({
      %run_scoped3A = tpu.sem_alloc : memref<!tpu.dma_semaphore, #tpu.memory_space<semaphore_mem>>
      %dma_start3A_46 = arith.constant 0 : i32
      %dma_start3A_47 = tpu.memref_slice %arg8[%add3A_38, %dma_start3A_46] : memref<20480x32xf32, #tpu.memory_space<hbm>> -> memref<640x32xf32, #tpu.memory_space<hbm>>
      %dma_start3A_48 = arith.constant 0 : i32
      %dma_start3A_49 = tpu.memref_slice %arg14[%mul3A_33, %dma_start3A_48] : memref<10240x32xf32, #tpu.memory_space<vmem_shared>> -> memref<640x32xf32, #tpu.memory_space<vmem_shared>>
      tpu.enqueue_dma source(%dma_start3A_49 : memref<640x32xf32, #tpu.memory_space<vmem_shared>>) target(%dma_start3A_47 : memref<640x32xf32, #tpu.memory_space<hbm>>) target_semaphore(%run_scoped3A : memref<!tpu.dma_semaphore, #tpu.memory_space<semaphore_mem>>)
      %dma_wait3A = arith.constant 0 : i32
      %dma_wait3A_50 = tpu.memref_slice %arg8[%add3A_38, %dma_wait3A] : memref<20480x32xf32, #tpu.memory_space<hbm>> -> memref<640x32xf32, #tpu.memory_space<hbm>>
      %dma_wait3A_51 = arith.constant 0 : i32
      %dma_wait3A_52 = tpu.memref_slice %arg14[%mul3A_33, %dma_wait3A_51] : memref<10240x32xf32, #tpu.memory_space<vmem_shared>> -> memref<640x32xf32, #tpu.memory_space<vmem_shared>>
      tpu.wait_dma2 semaphore(%run_scoped3A : memref<!tpu.dma_semaphore, #tpu.memory_space<semaphore_mem>>) src(%dma_wait3A_52 : memref<640x32xf32, #tpu.memory_space<vmem_shared>>) dst(%dma_wait3A_50 : memref<640x32xf32, #tpu.memory_space<hbm>>)
      tpu.yield
    }) : () -> ()
    %mul3A_39 = arith.constant 640 : i32
    %mul3A_40 = arith.muli %arg1, %mul3A_39 : i32
    %mul3A_41 = arith.constant 10240 : i32
    %mul3A_42 = arith.muli %arg0, %mul3A_41 : i32
    %mul3A_43 = arith.constant 640 : i32
    %mul3A_44 = arith.muli %arg1, %mul3A_43 : i32
    %add3A_45 = arith.addi %mul3A_42, %mul3A_44 : i32
    "tpu.region"() ({
      %run_scoped3A = tpu.sem_alloc : memref<!tpu.dma_semaphore, #tpu.memory_space<semaphore_mem>>
      %dma_start3A_46 = arith.constant 0 : i32
      %dma_start3A_47 = tpu.memref_slice %arg9[%add3A_45, %dma_start3A_46] : memref<20480x16xf32, #tpu.memory_space<hbm>> -> memref<640x16xf32, #tpu.memory_space<hbm>>
      %dma_start3A_48 = arith.constant 0 : i32
      %dma_start3A_49 = tpu.memref_slice %arg17[%mul3A_40, %dma_start3A_48] : memref<10240x16xf32, #tpu.memory_space<vmem_shared>> -> memref<640x16xf32, #tpu.memory_space<vmem_shared>>
      tpu.enqueue_dma source(%dma_start3A_49 : memref<640x16xf32, #tpu.memory_space<vmem_shared>>) target(%dma_start3A_47 : memref<640x16xf32, #tpu.memory_space<hbm>>) target_semaphore(%run_scoped3A : memref<!tpu.dma_semaphore, #tpu.memory_space<semaphore_mem>>)
      %dma_wait3A = arith.constant 0 : i32
      %dma_wait3A_50 = tpu.memref_slice %arg9[%add3A_45, %dma_wait3A] : memref<20480x16xf32, #tpu.memory_space<hbm>> -> memref<640x16xf32, #tpu.memory_space<hbm>>
      %dma_wait3A_51 = arith.constant 0 : i32
      %dma_wait3A_52 = tpu.memref_slice %arg17[%mul3A_40, %dma_wait3A_51] : memref<10240x16xf32, #tpu.memory_space<vmem_shared>> -> memref<640x16xf32, #tpu.memory_space<vmem_shared>>
      tpu.wait_dma2 semaphore(%run_scoped3A : memref<!tpu.dma_semaphore, #tpu.memory_space<semaphore_mem>>) src(%dma_wait3A_52 : memref<640x16xf32, #tpu.memory_space<vmem_shared>>) dst(%dma_wait3A_50 : memref<640x16xf32, #tpu.memory_space<hbm>>)
      tpu.yield
    }) : () -> ()
    "tpu.trace_stop"() : () -> ()
    return
  }
}

module attributes {stable_mosaic.version = 14 : i64} {
  func.func @_tc1_body(%arg0: i32, %arg1: memref<1433x1024xf32, #tpu.memory_space<vmem>>, %arg2: memref<1433x64xf32, #tpu.memory_space<vmem>>, %arg3: memref<1x32xf32, #tpu.memory_space<vmem>>, %arg4: memref<1024x32xf32, #tpu.memory_space<vmem>>, %arg5: memref<1024x32xf32, #tpu.memory_space<vmem>>) attributes {dimension_semantics = [#tpu.dimension_semantics<arbitrary>], iteration_bounds = array<i64: 10>, scalar_prefetch = 0 : i64, scratch_operands = 0 : i64, tpu.core_type = #tpu.core_type<tc>, window_params = [{transform_indices = @transform_0, window_bounds = array<i64: 1433, 1024>}, {pipeline_mode = #tpu.pipeline_mode<synchronous>, transform_indices = @transform_1, window_bounds = array<i64: 1433, 64>}, {pipeline_mode = #tpu.pipeline_mode<synchronous>, transform_indices = @transform_2, window_bounds = array<i64: 1, 32>}, {transform_indices = @transform_3, window_bounds = array<i64: 1024, 32>}, {transform_indices = @transform_4, window_bounds = array<i64: 1024, 32>}]} {
    %get3A = arith.constant 0 : index
    %get3A_0 = arith.constant 0 : index
    %get3A_1 = vector.load %arg1[%get3A, %get3A_0] : memref<1433x1024xf32, #tpu.memory_space<vmem>>, vector<1433x1024xf32>
    %get3A_2 = arith.constant 0 : index
    %get3A_3 = arith.constant 0 : index
    %get3A_4 = vector.load %arg2[%get3A_2, %get3A_3] : memref<1433x64xf32, #tpu.memory_space<vmem>>, vector<1433x64xf32>
    %dot_general3A = arith.constant dense<0.000000e+00> : vector<1024x64xf32>
    %dot_general3A_5 = tpu.matmul %get3A_1, %get3A_4, %dot_general3A {dimension_numbers = #tpu.dot_dimension_numbers<[0], [0], [1], [1], [0, 1, 1, 1], [], []>, transpose_lhs_hint = false} : vector<1433x1024xf32>, vector<1433x64xf32>, vector<1024x64xf32> -> vector<1024x64xf32>
    %slice3A = vector.extract_strided_slice %dot_general3A_5 {offsets = [0, 0], sizes = [1024, 32], strides = [1, 1]} : vector<1024x64xf32> to vector<1024x32xf32>
    %swap3A = arith.constant 0 : index
    %swap3A_6 = arith.constant 0 : index
    %swap3A_7 = vector.load %arg4[%swap3A, %swap3A_6] : memref<1024x32xf32, #tpu.memory_space<vmem>>, vector<1024x32xf32>
    tpu.vector_store %arg4[%swap3A, %swap3A_6], %slice3A {strides = array<i32>} : memref<1024x32xf32, #tpu.memory_space<vmem>>, vector<1024x32xf32>,
    %slice3A_8 = vector.extract_strided_slice %dot_general3A_5 {offsets = [0, 32], sizes = [1024, 32], strides = [1, 1]} : vector<1024x64xf32> to vector<1024x32xf32>
    %get3A_9 = arith.constant 0 : index
    %get3A_10 = arith.constant 0 : index
    %get3A_11 = vector.load %arg3[%get3A_9, %get3A_10] : memref<1x32xf32, #tpu.memory_space<vmem>>, vector<1x32xf32>
    %add3A = vector.broadcast %get3A_11 : vector<1x32xf32> to vector<1024x32xf32>
    %add3A_12 = arith.addf %slice3A_8, %add3A : vector<1024x32xf32>
    %swap3A_13 = arith.constant 0 : index
    %swap3A_14 = arith.constant 0 : index
    %swap3A_15 = vector.load %arg5[%swap3A_13, %swap3A_14] : memref<1024x32xf32, #tpu.memory_space<vmem>>, vector<1024x32xf32>
    tpu.vector_store %arg5[%swap3A_13, %swap3A_14], %add3A_12 {strides = array<i32>} : memref<1024x32xf32, #tpu.memory_space<vmem>>, vector<1024x32xf32>,
    return
  }
  func.func @transform_0(%arg0: i32) -> (i32, i32) {
    %c0_i32 = arith.constant 0 : i32
    %c0_i32_0 = arith.constant 0 : i32
    return %c0_i32, %arg0 : i32, i32
  }
  func.func @transform_1(%arg0: i32) -> (i32, i32) {
    %c0_i32 = arith.constant 0 : i32
    %c0_i32_0 = arith.constant 0 : i32
    %c0_i32_1 = arith.constant 0 : i32
    return %c0_i32, %c0_i32_0 : i32, i32
  }
  func.func @transform_2(%arg0: i32) -> (i32, i32) {
    %c0_i32 = arith.constant 0 : i32
    %c0_i32_0 = arith.constant 0 : i32
    %c0_i32_1 = arith.constant 0 : i32
    return %c0_i32, %c0_i32_0 : i32, i32
  }
  func.func @transform_3(%arg0: i32) -> (i32, i32) {
    %c0_i32 = arith.constant 0 : i32
    %c0_i32_0 = arith.constant 0 : i32
    return %arg0, %c0_i32 : i32, i32
  }
  func.func @transform_4(%arg0: i32) -> (i32, i32) {
    %c0_i32 = arith.constant 0 : i32
    %c0_i32_0 = arith.constant 0 : i32
    return %arg0, %c0_i32 : i32, i32
  }
}

module attributes {stable_mosaic.version = 14 : i64} {
  func.func @_tc2_body(%arg0: i32, %arg1: memref<2048x32xf32, #tpu.memory_space<vmem>>, %arg2: memref<2048x32xf32, #tpu.memory_space<vmem>>, %arg3: memref<2048x16xf32, #tpu.memory_space<vmem>>, %arg4: memref<2048x16xf32, #tpu.memory_space<vmem>>, %arg5: memref<2048x32xf32, #tpu.memory_space<vmem>>, %arg6: memref<32x32xf32, #tpu.memory_space<vmem>>, %arg7: memref<32x32xf32, #tpu.memory_space<vmem>>, %arg8: memref<1x32xf32, #tpu.memory_space<vmem>>, %arg9: memref<2048x32xf32, #tpu.memory_space<vmem>>, %arg10: memref<2048x32xf32, #tpu.memory_space<vmem>>, %arg11: memref<2048x32xf32, #tpu.memory_space<vmem>>) attributes {dimension_semantics = [#tpu.dimension_semantics<arbitrary>], iteration_bounds = array<i64: 5>, scalar_prefetch = 0 : i64, scratch_operands = 0 : i64, tpu.core_type = #tpu.core_type<tc>, window_params = [{transform_indices = @transform_0, window_bounds = array<i64: 2048, 32>}, {transform_indices = @transform_1, window_bounds = array<i64: 2048, 32>}, {transform_indices = @transform_2, window_bounds = array<i64: 2048, 16>}, {transform_indices = @transform_3, window_bounds = array<i64: 2048, 16>}, {transform_indices = @transform_4, window_bounds = array<i64: 2048, 32>}, {pipeline_mode = #tpu.pipeline_mode<synchronous>, transform_indices = @transform_5, window_bounds = array<i64: 32, 32>}, {pipeline_mode = #tpu.pipeline_mode<synchronous>, transform_indices = @transform_6, window_bounds = array<i64: 32, 32>}, {pipeline_mode = #tpu.pipeline_mode<synchronous>, transform_indices = @transform_7, window_bounds = array<i64: 1, 32>}, {transform_indices = @transform_8, window_bounds = array<i64: 2048, 32>}, {transform_indices = @transform_9, window_bounds = array<i64: 2048, 32>}, {transform_indices = @transform_10, window_bounds = array<i64: 2048, 32>}]} {
    %get3A = arith.constant 0 : index
    %get3A_0 = arith.constant 0 : index
    %get3A_1 = vector.load %arg1[%get3A, %get3A_0] : memref<2048x32xf32, #tpu.memory_space<vmem>>, vector<2048x32xf32>
    %get3A_2 = arith.constant 0 : index
    %get3A_3 = arith.constant 0 : index
    %get3A_4 = vector.load %arg2[%get3A_2, %get3A_3] : memref<2048x32xf32, #tpu.memory_space<vmem>>, vector<2048x32xf32>
    %add3A = arith.addf %get3A_1, %get3A_4 : vector<2048x32xf32>
    %get3A_5 = arith.constant 0 : index
    %get3A_6 = arith.constant 0 : index
    %get3A_7 = vector.load %arg3[%get3A_5, %get3A_6] : memref<2048x16xf32, #tpu.memory_space<vmem>>, vector<2048x16xf32>
    %slice3A = vector.extract_strided_slice %get3A_7 {offsets = [0, 0], sizes = [2048, 1], strides = [1, 1]} : vector<2048x16xf32> to vector<2048x1xf32>
    %get3A_8 = arith.constant 0 : index
    %get3A_9 = arith.constant 0 : index
    %get3A_10 = vector.load %arg4[%get3A_8, %get3A_9] : memref<2048x16xf32, #tpu.memory_space<vmem>>, vector<2048x16xf32>
    %slice3A_11 = vector.extract_strided_slice %get3A_10 {offsets = [0, 0], sizes = [2048, 1], strides = [1, 1]} : vector<2048x16xf32> to vector<2048x1xf32>
    %add3A_12 = arith.addf %slice3A, %slice3A_11 : vector<2048x1xf32>
    %max3A = arith.constant 1.000000e+00 : f32
    %max3A_13 = vector.broadcast %max3A : f32 to vector<2048x1xf32>
    %max3A_14 = arith.maximumf %add3A_12, %max3A_13 : vector<2048x1xf32>
    %div3A = arith.constant 1.000000e+00 : f32
    %div3A_15 = vector.broadcast %div3A : f32 to vector<2048x1xf32>
    %div3A_16 = arith.divf %div3A_15, %max3A_14 : vector<2048x1xf32>
    %mul3A = vector.broadcast %div3A_16 : vector<2048x1xf32> to vector<2048x32xf32>
    %mul3A_17 = arith.mulf %add3A, %mul3A : vector<2048x32xf32>
    %get3A_18 = arith.constant 0 : index
    %get3A_19 = arith.constant 0 : index
    %get3A_20 = vector.load %arg5[%get3A_18, %get3A_19] : memref<2048x32xf32, #tpu.memory_space<vmem>>, vector<2048x32xf32>
    %add3A_21 = arith.addf %mul3A_17, %get3A_20 : vector<2048x32xf32>
    %get3A_22 = arith.constant 0 : index
    %get3A_23 = arith.constant 0 : index
    %get3A_24 = vector.load %arg6[%get3A_22, %get3A_23] : memref<32x32xf32, #tpu.memory_space<vmem>>, vector<32x32xf32>
    %dot_general3A = arith.constant dense<0.000000e+00> : vector<2048x32xf32>
    %dot_general3A_25 = tpu.matmul %add3A_21, %get3A_24, %dot_general3A {dimension_numbers = #tpu.dot_dimension_numbers<[1], [0], [0], [1], [0, 0, 1, 1], [], []>, transpose_lhs_hint = false} : vector<2048x32xf32>, vector<32x32xf32>, vector<2048x32xf32> -> vector<2048x32xf32>
    %swap3A = arith.constant 0 : index
    %swap3A_26 = arith.constant 0 : index
    %swap3A_27 = vector.load %arg9[%swap3A, %swap3A_26] : memref<2048x32xf32, #tpu.memory_space<vmem>>, vector<2048x32xf32>
    tpu.vector_store %arg9[%swap3A, %swap3A_26], %dot_general3A_25 {strides = array<i32>} : memref<2048x32xf32, #tpu.memory_space<vmem>>, vector<2048x32xf32>,
    %get3A_28 = arith.constant 0 : index
    %get3A_29 = arith.constant 0 : index
    %get3A_30 = vector.load %arg7[%get3A_28, %get3A_29] : memref<32x32xf32, #tpu.memory_space<vmem>>, vector<32x32xf32>
    %dot_general3A_31 = arith.constant dense<0.000000e+00> : vector<2048x32xf32>
    %dot_general3A_32 = tpu.matmul %add3A_21, %get3A_30, %dot_general3A_31 {dimension_numbers = #tpu.dot_dimension_numbers<[1], [0], [0], [1], [0, 0, 1, 1], [], []>, transpose_lhs_hint = false} : vector<2048x32xf32>, vector<32x32xf32>, vector<2048x32xf32> -> vector<2048x32xf32>
    %get3A_33 = arith.constant 0 : index
    %get3A_34 = arith.constant 0 : index
    %get3A_35 = vector.load %arg8[%get3A_33, %get3A_34] : memref<1x32xf32, #tpu.memory_space<vmem>>, vector<1x32xf32>
    %add3A_36 = vector.broadcast %get3A_35 : vector<1x32xf32> to vector<2048x32xf32>
    %add3A_37 = arith.addf %dot_general3A_32, %add3A_36 : vector<2048x32xf32>
    %swap3A_38 = arith.constant 0 : index
    %swap3A_39 = arith.constant 0 : index
    %swap3A_40 = vector.load %arg10[%swap3A_38, %swap3A_39] : memref<2048x32xf32, #tpu.memory_space<vmem>>, vector<2048x32xf32>
    tpu.vector_store %arg10[%swap3A_38, %swap3A_39], %add3A_37 {strides = array<i32>} : memref<2048x32xf32, #tpu.memory_space<vmem>>, vector<2048x32xf32>,
    %broadcast_in_dim3A = vector.shape_cast %div3A_16 : vector<2048x1xf32> to vector<2048x1xf32>
    %broadcast_in_dim3A_41 = vector.broadcast %broadcast_in_dim3A : vector<2048x1xf32> to vector<2048x32xf32>
    %swap3A_42 = arith.constant 0 : index
    %swap3A_43 = arith.constant 0 : index
    %swap3A_44 = vector.load %arg11[%swap3A_42, %swap3A_43] : memref<2048x32xf32, #tpu.memory_space<vmem>>, vector<2048x32xf32>
    tpu.vector_store %arg11[%swap3A_42, %swap3A_43], %broadcast_in_dim3A_41 {strides = array<i32>} : memref<2048x32xf32, #tpu.memory_space<vmem>>, vector<2048x32xf32>,
    return
  }
  func.func @transform_0(%arg0: i32) -> (i32, i32) {
    %c0_i32 = arith.constant 0 : i32
    %c0_i32_0 = arith.constant 0 : i32
    return %arg0, %c0_i32 : i32, i32
  }
  func.func @transform_1(%arg0: i32) -> (i32, i32) {
    %add3A = arith.constant 5 : i32
    %add3A_0 = arith.addi %arg0, %add3A : i32
    %c0_i32 = arith.constant 0 : i32
    %c0_i32_1 = arith.constant 0 : i32
    return %add3A_0, %c0_i32 : i32, i32
  }
  func.func @transform_2(%arg0: i32) -> (i32, i32) {
    %c0_i32 = arith.constant 0 : i32
    %c0_i32_0 = arith.constant 0 : i32
    return %arg0, %c0_i32 : i32, i32
  }
  func.func @transform_3(%arg0: i32) -> (i32, i32) {
    %add3A = arith.constant 5 : i32
    %add3A_0 = arith.addi %arg0, %add3A : i32
    %c0_i32 = arith.constant 0 : i32
    %c0_i32_1 = arith.constant 0 : i32
    return %add3A_0, %c0_i32 : i32, i32
  }
  func.func @transform_4(%arg0: i32) -> (i32, i32) {
    %c0_i32 = arith.constant 0 : i32
    %c0_i32_0 = arith.constant 0 : i32
    return %arg0, %c0_i32 : i32, i32
  }
  func.func @transform_5(%arg0: i32) -> (i32, i32) {
    %c0_i32 = arith.constant 0 : i32
    %c0_i32_0 = arith.constant 0 : i32
    %c0_i32_1 = arith.constant 0 : i32
    return %c0_i32, %c0_i32_0 : i32, i32
  }
  func.func @transform_6(%arg0: i32) -> (i32, i32) {
    %c0_i32 = arith.constant 0 : i32
    %c0_i32_0 = arith.constant 0 : i32
    %c0_i32_1 = arith.constant 0 : i32
    return %c0_i32, %c0_i32_0 : i32, i32
  }
  func.func @transform_7(%arg0: i32) -> (i32, i32) {
    %c0_i32 = arith.constant 0 : i32
    %c0_i32_0 = arith.constant 0 : i32
    %c0_i32_1 = arith.constant 0 : i32
    return %c0_i32, %c0_i32_0 : i32, i32
  }
  func.func @transform_8(%arg0: i32) -> (i32, i32) {
    %c0_i32 = arith.constant 0 : i32
    %c0_i32_0 = arith.constant 0 : i32
    return %arg0, %c0_i32 : i32, i32
  }
  func.func @transform_9(%arg0: i32) -> (i32, i32) {
    %c0_i32 = arith.constant 0 : i32
    %c0_i32_0 = arith.constant 0 : i32
    return %arg0, %c0_i32 : i32, i32
  }
  func.func @transform_10(%arg0: i32) -> (i32, i32) {
    %c0_i32 = arith.constant 0 : i32
    %c0_i32_0 = arith.constant 0 : i32
    return %arg0, %c0_i32 : i32, i32
  }
}

module attributes {stable_mosaic.version = 14 : i64} {
  func.func @_tc3_body(%arg0: i32, %arg1: memref<2048x32xf32, #tpu.memory_space<vmem>>, %arg2: memref<2048x32xf32, #tpu.memory_space<vmem>>, %arg3: memref<2048x32xf32, #tpu.memory_space<vmem>>, %arg4: memref<2048x32xf32, #tpu.memory_space<vmem>>, %arg5: memref<32x2048xf32, #tpu.memory_space<vmem>>) attributes {dimension_semantics = [#tpu.dimension_semantics<arbitrary>], iteration_bounds = array<i64: 5>, scalar_prefetch = 0 : i64, scratch_operands = 0 : i64, tpu.core_type = #tpu.core_type<tc>, window_params = [{transform_indices = @transform_0, window_bounds = array<i64: 2048, 32>}, {transform_indices = @transform_1, window_bounds = array<i64: 2048, 32>}, {transform_indices = @transform_2, window_bounds = array<i64: 2048, 32>}, {transform_indices = @transform_3, window_bounds = array<i64: 2048, 32>}, {transform_indices = @transform_4, window_bounds = array<i64: 32, 2048>}]} {
    %get3A = arith.constant 0 : index
    %get3A_0 = arith.constant 0 : index
    %get3A_1 = vector.load %arg1[%get3A, %get3A_0] : memref<2048x32xf32, #tpu.memory_space<vmem>>, vector<2048x32xf32>
    %get3A_2 = arith.constant 0 : index
    %get3A_3 = arith.constant 0 : index
    %get3A_4 = vector.load %arg2[%get3A_2, %get3A_3] : memref<2048x32xf32, #tpu.memory_space<vmem>>, vector<2048x32xf32>
    %add3A = arith.addf %get3A_1, %get3A_4 : vector<2048x32xf32>
    %get3A_5 = arith.constant 0 : index
    %get3A_6 = arith.constant 0 : index
    %get3A_7 = vector.load %arg4[%get3A_5, %get3A_6] : memref<2048x32xf32, #tpu.memory_space<vmem>>, vector<2048x32xf32>
    %mul3A = arith.mulf %add3A, %get3A_7 : vector<2048x32xf32>
    %get3A_8 = arith.constant 0 : index
    %get3A_9 = arith.constant 0 : index
    %get3A_10 = vector.load %arg3[%get3A_8, %get3A_9] : memref<2048x32xf32, #tpu.memory_space<vmem>>, vector<2048x32xf32>
    %add3A_11 = arith.addf %mul3A, %get3A_10 : vector<2048x32xf32>
    %max3A = arith.constant 0.000000e+00 : f32
    %max3A_12 = vector.broadcast %max3A : f32 to vector<2048x32xf32>
    %max3A_13 = arith.maximumf %add3A_11, %max3A_12 : vector<2048x32xf32>
    %reduce_max3A = arith.constant dense<0xFF800000> : vector<2048xf32>
    %reduce_max3A_14 = vector.multi_reduction <maximumf>, %max3A_13, %reduce_max3A [1] : vector<2048x32xf32> to vector<2048xf32>
    %broadcast_in_dim3A = vector.shape_cast %reduce_max3A_14 : vector<2048xf32> to vector<2048x1xf32>
    %sub3A = vector.broadcast %broadcast_in_dim3A : vector<2048x1xf32> to vector<2048x32xf32>
    %sub3A_15 = arith.subf %max3A_13, %sub3A : vector<2048x32xf32>
    %exp3A = math.exp %sub3A_15 : vector<2048x32xf32>
    %reduce_sum3A = arith.constant dense<0.000000e+00> : vector<2048xf32>
    %reduce_sum3A_16 = vector.multi_reduction <add>, %exp3A, %reduce_sum3A [1] : vector<2048x32xf32> to vector<2048xf32>
    %broadcast_in_dim3A_17 = vector.shape_cast %reduce_sum3A_16 : vector<2048xf32> to vector<2048x1xf32>
    %log3A = math.log %broadcast_in_dim3A_17 : vector<2048x1xf32>
    %add3A_18 = arith.addf %log3A, %broadcast_in_dim3A : vector<2048x1xf32>
    %sub3A_19 = vector.broadcast %add3A_18 : vector<2048x1xf32> to vector<2048x32xf32>
    %sub3A_20 = arith.subf %max3A_13, %sub3A_19 : vector<2048x32xf32>
    %transpose3A = tpu.transpose %sub3A_20, [1, 0] : vector<2048x32xf32> -> vector<32x2048xf32>
    %swap3A = arith.constant 0 : index
    %swap3A_21 = arith.constant 0 : index
    %swap3A_22 = vector.load %arg5[%swap3A, %swap3A_21] : memref<32x2048xf32, #tpu.memory_space<vmem>>, vector<32x2048xf32>
    tpu.vector_store %arg5[%swap3A, %swap3A_21], %transpose3A {strides = array<i32>} : memref<32x2048xf32, #tpu.memory_space<vmem>>, vector<32x2048xf32>,
    return
  }
  func.func @transform_0(%arg0: i32) -> (i32, i32) {
    %c0_i32 = arith.constant 0 : i32
    %c0_i32_0 = arith.constant 0 : i32
    return %arg0, %c0_i32 : i32, i32
  }
  func.func @transform_1(%arg0: i32) -> (i32, i32) {
    %add3A = arith.constant 5 : i32
    %add3A_0 = arith.addi %arg0, %add3A : i32
    %c0_i32 = arith.constant 0 : i32
    %c0_i32_1 = arith.constant 0 : i32
    return %add3A_0, %c0_i32 : i32, i32
  }
  func.func @transform_2(%arg0: i32) -> (i32, i32) {
    %c0_i32 = arith.constant 0 : i32
    %c0_i32_0 = arith.constant 0 : i32
    return %arg0, %c0_i32 : i32, i32
  }
  func.func @transform_3(%arg0: i32) -> (i32, i32) {
    %c0_i32 = arith.constant 0 : i32
    %c0_i32_0 = arith.constant 0 : i32
    return %arg0, %c0_i32 : i32, i32
  }
  func.func @transform_4(%arg0: i32) -> (i32, i32) {
    %c0_i32 = arith.constant 0 : i32
    %c0_i32_0 = arith.constant 0 : i32
    return %c0_i32, %arg0 : i32, i32
  }
}

</mosaic_0001>

<sc_bundles>
// kernel: kernel.10.cloned.1.call-start
scs
__scs_entry_jumppad:
0x0: {  	(pc) =	sbr.rel $0x88, $3  }
0x1: {  	(tag) =	ssettag $0x0;
	lr =	simm.s32 $0x1  }
0x2: {  	[smem:$0x3F99] =	sst lr;
	_ =	strace $0xD0000000  }
0x3: {  	_ = 	snop  }
0x4: {  	_ = 	snop  }
0x5: {  	_ = 	snop  }
0x6: {  	_ = 	snop  }
0x7: {  	_ = 	snop  }
__scs_overlays_trampoline_lowered:
0x8: {  	[smem:$0x3FA8] =	sst s0  }
0x9: {  	[smem:$0x3FA9] =	sst s1  }
0xa: {  	[smem:$0x3FAA] =	sst s2  }
0xb: {  	[smem:$0x3FAB] =	sst s3  }
0xc: {  	[smem:$0x3FAC] =	sst s4  }
0xd: {  	[smem:$0x3FAD] =	sst s5  }
0xe: {  	[smem:$0x3FAE] =	sst s6  }
0xf: {  	[smem:$0x3FAF] =	sst s7  }
0x10: {  	[smem:$0x3FB0] =	sst s8  }
0x11: {  	[smem:$0x3FB1] =	sst s9;
	s0 =	simm.s32 @!p0 $0x0  }
0x12: {  	s1 =	sld [smem:$0x3F97];
	s0 =	simm.s32 @p0 $0x1  }
0x13: {  	[smem:$0x3FB2] =	sst s0;
	s0 =	simm.s32 @!p1 $0x0  }
0x14: {  	s2 =	sld [smem:$0x3F96];
	s0 =	simm.s32 @p1 $0x1  }
0x15: {  	[smem:$0x3FB3] =	sst s0;
	s0 =	simm.s32 @!p2 $0x0  }
0x16: {  	s3 =	sld [smem:$0x3FDB];
	s0 =	simm.s32 @p2 $0x1  }
0x17: {  	s4 =	simm.s32 $0x1BF5;
	[smem:$0x3FB5] =	sst s0  }
0x18: {  	s0 =	sld [smem:$0x3F98];
	_ =	swait.ge [sflag:s4], $0x0  }
0x19: {  	s7 =	sld [smem:$0x3F99]  }
0x1a: {  	s8 =	sadd.s32 $0xFFFFE003, lr  }
0x1b: {  	s9 =	sadd.s32 $0xFFFFFEF7, lr;
	s5 =	simm.s32 $0xFFFFFFFF;
	p2 =	slt.u32 s8, $0xFFFFF086  }
0x1c: {  	p1 =	slt.u32 s9, $0xF7A;
	s5 =	simm.s32 @!p2 $0x0  }
0x1d: {  	s5 =	simm.s32 @p1 $0x1;
	p0 =	seq.s32 s7, s2  }
0x1e: {  	s7 =	smul.u32 @!p0 $0xF7A, s2;
	p2 =	seq.s32 @!p0 s5, $0x0  }
0x1f: {  	s9 =	smul.u32 $0xF7A, s1;
	s8 =	simm.s32 @!p0 $0x1BF5;
	p2 =	por !p2, p0  }
0x20: {  	[sflag:s8] =	ssyncset.s32 @!p0 $0xFFFFF086;
	s6 =	sadd.s32 @!p0 s3, s7;
	s7 =	simm.s32 @!p0 $0x108  }
0x21: {  	s3 =	sadd.s32 s3, s9;
	s6 =	sadd.s32 @!p0 $0x88, s6;
	s7 =	simm.s32 @p2 $0x1082  }
0x22: {  	[simem:s7], [sflag:s8] =	dma.local @!p0 [hbm:s6], $0xF7A  }
0x23: {  	s9 =	sor.u32 $0xD0000000, s2;
	s6 =	simm.s32 $0x108;
	_ =	swait.ge @!p0 [sflag:s8], $0x0  }
0x24: {  	s3 =	sadd.s32 $0x88, s3;
	s6 =	simm.s32 @!p1 $0x1082;
	[sflag:s4] =	ssyncset.s32 $0xFFFFF086  }
0x25: {  	[simem:s6], [sflag:s4] =	dma.local [hbm:s3], $0xF7A  }
0x26: {  	[smem:$0x3F99] =	sst s1;
	(tag) =	ssettag s2;
	_ =	strace s9  }
0x27: {  	s1 =	sld [smem:$0x3FA9]  }
0x28: {  	s2 =	sld [smem:$0x3FAA]  }
0x29: {  	s4 =	sld [smem:$0x3FAC]  }
0x2a: {  	p0 =	seq.s32 s5, $0x0;
	s5 =	sld [smem:$0x3FAD]  }
0x2b: {  	s6 =	sld [smem:$0x3FAE]  }
0x2c: {  	s7 =	sld [smem:$0x3FAF]  }
0x2d: {  	s3 =	simm.s32 $0x108;
	s8 =	sld [smem:$0x3FB0]  }
0x2e: {  	s3 =	simm.s32 @!p0 $0x1082;
	s9 =	sld [smem:$0x3FB1]  }
0x2f: {  	lr =	sadd.s32 s0, s3;
	s0 =	sld [smem:$0x3FA8]  }
0x30: {  	s3 =	sld [smem:$0x3FAB]  }
0x31: {  	[smem:$0x3FB4] =	sst s10  }
0x32: {  	s10 =	sld [smem:$0x3FB2];
	_ =	sdelay $0x3  }
0x33: {  	p0 =	seq.s32 s10, $0x1;
	s10 =	sld [smem:$0x3FB4];
	_ =	sdelay $0x3  }
0x34: {  	[smem:$0x3FB4] =	sst s10  }
0x35: {  	s10 =	sld [smem:$0x3FB3];
	_ =	sdelay $0x3  }
0x36: {  	p1 =	seq.s32 s10, $0x1;
	s10 =	sld [smem:$0x3FB4];
	_ =	sdelay $0x3  }
0x37: {  	[smem:$0x3FB4] =	sst s10  }
0x38: {  	s10 =	sld [smem:$0x3FB5]  }
0x39: {  	_ = 	snop;
	(pc) =	sbr.ind lr, $3  }
0x3a: {  	_ = 	snop  }
0x3b: {  	_ = 	snop  }
0x3c: {  	p2 =	seq.s32 s10, $0x1;
	s10 =	sld [smem:$0x3FB4]  }
0x3d: {  	_ =	shalt  }
0x3e: {  	_ =	shalt  }
0x3f: {  	_ =	shalt  }
0x40: {  	_ =	shalt  }
0x41: {  	_ =	shalt  }
0x42: {  	_ =	shalt  }
0x43: {  	_ =	shalt  }
0x44: {  	_ =	shalt  }
0x45: {  	_ =	shalt  }
0x46: {  	_ =	shalt  }
0x47: {  	_ =	shalt  }
0x48: {  	_ =	shalt  }
0x49: {  	_ =	shalt  }
0x4a: {  	_ =	shalt  }
0x4b: {  	_ =	shalt  }
0x4c: {  	_ =	shalt  }
0x4d: {  	_ =	shalt  }
0x4e: {  	_ =	shalt  }
0x4f: {  	_ =	shalt  }
0x50: {  	_ =	shalt  }
0x51: {  	_ =	shalt  }
0x52: {  	_ =	shalt  }
0x53: {  	_ =	shalt  }
0x54: {  	_ =	shalt  }
0x55: {  	_ =	shalt  }
0x56: {  	_ =	shalt  }
0x57: {  	_ =	shalt  }
0x58: {  	_ =	shalt  }
0x59: {  	_ =	shalt  }
0x5a: {  	_ =	shalt  }
0x5b: {  	_ =	shalt  }
0x5c: {  	_ =	shalt  }
0x5d: {  	_ =	shalt  }
0x5e: {  	_ =	shalt  }
0x5f: {  	_ =	shalt  }
0x60: {  	_ =	shalt  }
0x61: {  	_ =	shalt  }
0x62: {  	_ =	shalt  }
0x63: {  	_ =	shalt  }
0x64: {  	_ =	shalt  }
0x65: {  	_ =	shalt  }
0x66: {  	_ =	shalt  }
0x67: {  	_ =	shalt  }
0x68: {  	_ =	shalt  }
0x69: {  	_ =	shalt  }
0x6a: {  	_ =	shalt  }
0x6b: {  	_ =	shalt  }
0x6c: {  	_ =	shalt  }
0x6d: {  	_ =	shalt  }
0x6e: {  	_ =	shalt  }
0x6f: {  	_ =	shalt  }
0x70: {  	_ =	shalt  }
0x71: {  	_ =	shalt  }
0x72: {  	_ =	shalt  }
0x73: {  	_ =	shalt  }
0x74: {  	_ =	shalt  }
0x75: {  	_ =	shalt  }
0x76: {  	_ =	shalt  }
0x77: {  	_ =	shalt  }
0x78: {  	_ =	shalt  }
0x79: {  	_ =	shalt  }
0x7a: {  	_ =	shalt  }
0x7b: {  	_ =	shalt  }
0x7c: {  	_ =	shalt  }
0x7d: {  	_ =	shalt  }
0x7e: {  	_ =	shalt  }
0x7f: {  	_ =	shalt  }
0x80: {  	_ =	shalt  }
0x81: {  	_ =	shalt  }
0x82: {  	_ =	shalt  }
0x83: {  	_ =	shalt  }
0x84: {  	_ =	shalt  }
0x85: {  	_ =	shalt  }
0x86: {  	_ =	shalt  }
0x87: {  	_ =	shalt  }
.Lfunc_end0:
.L_simem_size_0:
called_computation.1_lowered:
.L_overlay_start_0:
0x88: {  	s2 =	sld [smem:$0x3FD9]  }
0x89: {  	s3 =	sld [smem:$0x3FFE];
	_ =	sdelay $0x1  }
0x8a: {  	s1 =	srdreg.scid  }
0x8b: {  	s0 =	sand.u32 $0x1, s1  }
0x8c: {  	s17 =	sshll.u32 s0, $0xA;
	s2 =	sadd.s32 s3, s2  }
0x8d: {  	s2 =	sadd.s32 s2, s17  }
0x8e: {  	[smem:$0x3FC0] =	sst s2  }
0x8f: {  	_ = 	snop  }
0x90: {  	s2 =	sld [smem:$0x3FD0];
	(tm) =	ssettm $0x1  }
0x91: {  	s18 =	sld [smem:$0x3FFB];
	_ =	sdelay $0x3  }
0x92: {  	_ =	strace s18  }
0x93: {  	s3 =	sld [smem:$0x3FFC];
	_ =	sdelay $0x3  }
0x94: {  	_ =	strace s3  }
0x95: {  	s3 =	sld [smem:$0x3FFD];
	_ =	sdelay $0x3  }
0x96: {  	_ =	strace s3  }
0x97: {  	_ =	strace $0x8FFFFFFF  }
0x98: {  	s19 =	sld [smem:$0x3FDB];
	_ =	sdelay $0x1  }
0x99: {  	s4 =	simm.s32 $_scs_section_size  }
0x9a: {  	s5 =	simm.s32 $_size__tile_overlayer_lowered;
	s6 =	simm.s32 $_tile_overlayer_lowered  }
0x9b: {  	s22 =	simm.s32 $0x1BFF;
	s21 =	sshll.u32 s6, $0x1;
	s3 =	sadd.s32 s4, s19  }
0x9c: {  	s7 =	simm.s32 $0x0;
	s20 =	sshll.u32 s5, $0x1;
	s5 =	sadd.s32 s21, s3  }
0x9d: {  	[timem:s7], [sflag:s22] =	dma.local [hbm:s5], s20  }
0x9e: {  	_ =	swait.ge [sflag:s22], s20  }
0x9f: {  	s4 =	ssub.s32 $0x0, s20;
	[sflag:s22] =	ssyncset.done $0x0  }
0xa0: {  	[sflag:s22] =	ssyncadd.s32 s4;
	_ =	sdelay $0x1  }
0xa1: {  	s23 =	simm.s32 $0x1B8B  }
0xa2: {  	_ =	swait.ge [sflag:s23], $0x1  }
0xa3: {  	[sflag:s23] =	ssyncset.done $0x0  }
0xa4: {  	s25 =	simm.s32 $0x1B8E;
	s24 =	sld [smem:$0x3FFE];
	[sflag:s23] =	ssyncadd.s32 $0xFFFFFFFF  }
0xa5: {  	s26 =	simm.s32 $execute0_lowered;
	[smem:$0x3FD2] =	sst s25  }
0xa6: {  	s5 =	sshll.u32 s26, $0x1;
	_ =	strace $0x8000004E;
	[dreg:$0x1] =	wrdreg $0xFFFFFFFF  }
0xa7: {  	s28 =	simm.s32 $_size_execute0_lowered;
	s3 =	sadd.s32 s3, s5;
	[dreg:$0x0] =	wrdreg $0x0  }
0xa8: {  	s5 =	sshll.u32 s28, $0x1;
	[dreg:$0x2] =	wrdreg s3  }
0xa9: {  	[dreg:$0x3] =	wrdreg s5  }
0xaa: {  	[dreg:$0x4] =	wrdreg $0xC0  }
0xab: {  	_ =	task [dreg:s7], $0x5FFFF  }
0xac: {  	[dreg:$0x1] =	wrdreg $0xFFFFFFFF  }
0xad: {  	[dreg:$0x0] =	wrdreg $0x60  }
0xae: {  	[dreg:$0x2] =	wrdreg s24  }
0xaf: {  	[dreg:$0x3] =	wrdreg s2  }
0xb0: {  	[dreg:$0x4] =	wrdreg $0x48000  }
0xb1: {  	[dreg:$0x5] =	wrdreg $0x96200  }
0xb2: {  	[dreg:$0x6] =	wrdreg $0x9  }
0xb3: {  	_ =	task.clear_ibuf [dreg:s7], $0x7FFFF;
	_ =	strace $0x9000004E  }
0xb4: {  	s29 =	simm.s32 $0x9;
	_ =	strace $0x80000055  }
0xb5: {  	_ =	swait.ge [sflag:s29], $0x1  }
0xb6: {  	[sflag:s29] =	ssyncadd.s32 $0xFFFFFFFF  }
0xb7: {  	_ =	strace $0x90000055  }
0xb8: {  	_ =	sfence  }
0xb9: {  	s30 =	sld [smem:$0x0];
	_ =	sdelay $0x2  }
0xba: {  	s31 =	sshll.u32 s1, $0xD;
	s1 =	sshrl.u32 s1, $0x2  }
0xbb: {  	s3 =	sand.u32 $0x4000, s31;
	s1 =	sadd.s32 s1, s30  }
0xbc: {  	s0 =	sor.u32 s3, s0;
	s1 =	sshll.u32 s1, $0x11  }
0xbd: {  	s0 =	sor.u32 s1, s0  }
0xbe: {  	s0 =	sadd.s32 $0x8F2B, s0  }
0xbf: {  	[sflag:s0] =	ssyncadd.remote.s32 $0x1  }
0xc0: {  	_ =	sfence.sel $0xFFFF  }
0xc1: {  	[dreg:$0x0] =	wrdreg $0xFFFFFFFF;
	(pc) =	sbr.abs _section_cstart, $3  }
0xc2: {  	[dreg:$0x1] =	wrdreg $0xFFFFFFFF  }
0xc3: {  	_ =	task.clear_ibuf [dreg:s7], $0x2FFFF;
	_ =	strace $0x9FFFFFFF  }
0xc4: {  	(tm) =	ssettm $0x7FFFFFFF  }
0xc5: {  	_ =	shalt  }
tec
execute0_lowered:
.L_overlay_start_1:
0x0: {  	(tag) =	ssettag $0x1  }
0x1: {  	s5 =	rddreg [dreg:$0x0]  }
0x2: {  	s0 =	srdreg.scid;
	s7 =	rddreg [dreg:$0x1]  }
0x3: {  	s2 =	rddreg [dreg:$0x2];
	s6 =	sand.u32 $0x1, s0;
	s0 =	stileid.u32  }
0x4: {  	s3 =	rddreg [dreg:$0x3];
	s8 =	smul.u32 $0x4E20, s0  }
0x5: {  	s4 =	simm.s32 $0x0;
	s18 =	simm.s32 $0x2780;
	s10 =	smul.u32 $0x5000, s0  }
0x6: {  	s19 =	simm.s32 $0x3800;
	s20 =	simm.s32 $0x0;
	s12 =	smul.u32 $0xA00, s0  }
0x7: {  	[smem:$0x7FF] =	sst s4;
	s1 =	sshll.u32 s6, $0x4;
	s13 =	smul.u32 $0xA000, s6  }
0x8: {  	s6 =	ssub.s32 $0x2, s6;
	s31 =	sshll.u32 s0, $0x6;
	s1 =	sor.u32 s0, s1  }
0x9: {  	s30 =	sshrl.u32 s6, $0x1;
	s9 =	smul.u32 $0x280, s1;
	s1 =	rddreg [dreg:$0x4]  }
0xa: {  	s11 =	sshrl.u32 s8, $0x3;
	_ =	strace $0x8000004F;
	s15 =	sshrl.u32 s10, $0x3  }
0xb: {  	s12 =	sadd.s32 s12, s13;
	s13 =	ssub.s32 s6, s30;
	s16 =	sadd.s32 s8, s2  }
0xc: {  	s17 =	sadd.s32 s10, s3;
	s11 =	sadd.s32 s11, s5;
	s15 =	sadd.s32 s15, s5  }
0xd: {  	s12 =	sadd.s32 s12, s5;
	s10 =	smax.u32 s13, $0x1;
	s13 =	simm.s32 $0x2  }
0xe: {  	s14 =	sadd.s32 s9, s5;
	s5 =	sadd.s32 $0x1200, s11;
	s6 =	sadd.s32 $0x15400, s15  }
0xf: {  	s7 =	sadd.s32 s7, s9;
	s9 =	sadd.s32 $0x1F400, s12;
	s11 =	sor.u32 $0x1C02, s31  }
0x10: {  	s12 =	sshrl.u32 s16, $0x3;
	s15 =	simm.s32 $0x2800;
	s16 =	simm.s32 $0x1  }
0x11: {  	s8 =	sadd.s32 $0xB200, s14;
	s14 =	sshrl.u32 s17, $0x3;
	s17 =	simm.s32 $0x80  }
.LBB2_1:
0x12: {  	_ =	strace $0x80000050  }
0x13: {  	[spmem:s12], [sflag:s11] =	dma.local [hbm:s5], $0x9C4  }
0x14: {  	_ =	swait.ge [sflag:s13], $0x9C4  }
0x15: {  	[sflag:s13] =	ssyncset.done $0x0  }
0x16: {  	[sflag:s13] =	ssyncadd.s32 $0xFFFFF63C  }
0x17: {  	[spmem:s14], [sflag:s11] =	dma.local [hbm:s6], $0xA00  }
0x18: {  	_ =	swait.ge [sflag:s13], $0xA00  }
0x19: {  	[sflag:s13] =	ssyncset.done $0x0  }
0x1a: {  	[sflag:s13] =	ssyncadd.s32 $0xFFFFF600  }
0x1b: {  	[tilespmem:s4], [sflag:$0x2] =	stream.linear.gather [hbm4b:s7+s4], $0x1400, $0x200038;
	[tilespmem:$0xE620] =	vst v63  }
0x1c: {  	_ =	swait.ge [sflag:s13], $0x1400  }
0x1d: {  	[sflag:s13] =	ssyncset.done $0x0  }
0x1e: {  	s21 =	simm.s32 $0x1400;
	[sflag:s13] =	ssyncadd.s32 $0xFFFFEC00  }
0x1f: {  	[tilespmem:s21], [sflag:$0x2] =	stream.linear.gather [hbm4b:s8+s4], $0x1400, $0x200038;
	[tilespmem:$0xE620] =	vst v63  }
0x20: {  	_ =	swait.ge [sflag:s13], $0x1400  }
0x21: {  	[sflag:s13] =	ssyncset.done $0x0  }
0x22: {  	[sflag:s13] =	ssyncadd.s32 $0xFFFFEC00  }
0x23: {  	_ =	strace $0x90000050  }
0x24: {  	_ =	strace $0x80000051  }
0x25: {  	[bflag:$0x0] =	sbarrier.arrive $0xFFFF  }
0x26: {  	_ =	strace $0x90000051  }
0x27: {  	[tilespmem:s15], [sflag:$0x1] =	stream.indirect.gather [spmem:s2], $0x20, s4, s17, $0xb8;
	[tilespmem:$0xE620] =	vst v63  }
0x28: {  	_ =	strace $0x80000052  }
0x29: {  	s22 =	simm.s32 $0x0;
	_ =	swait.ge [sflag:s16], $0x1000  }
0x2a: {  	s22 =	sand.u32 $0x1000, s22;
	[sflag:s16] =	ssyncset.done $0x0  }
0x2b: {  	s23 =	sxor.u32 $0x3800, s22;
	[sflag:s16] =	ssyncadd.s32 $0xFFFFF000  }
0x2c: {  	[tilespmem:s23], [sflag:$0x1] =	stream.indirect.gather [spmem:s2], $0x20, s17, s17, $0x2000b8;
	[tilespmem:$0xE620] =	vst v63  }
0x2d: {  	s22 =	sor.u32 $0x2800, s22  }
0x2e: {  	[spmem:s3] =	stream.indirect.scatter.add.f32 [tilespmem:s22], [sflag:$0x2], $0x20, s21, s17, $0x2000b8;
	[tilespmem:$0xE620] =	vst v63  }
0x2f: {  	_ =	swait.ge [sflag:s13], $0x1000  }
0x30: {  	s23 =	simm.s32 $0x80;
	s22 =	simm.s32 $0x1;
	[sflag:s13] =	ssyncset.done $0x0  }
.LBB2_2:
0x31: {  	[sflag:s13] =	ssyncadd.s32 $0xFFFFF000;
	s21 =	sadd.s32 $0x80, s21;
	s23 =	sadd.s32 $0x80, s23  }
0x32: {  	p0 =	sne.s32 s22, $0x26;
	s24 =	smov.u32 s22;
	s22 =	sadd.s32 $0x1, s22  }
0x33: {  	s24 =	sshll.u32 s24, $0xC;
	_ =	swait.ge [sflag:s16], $0x1000  }
0x34: {  	s24 =	sand.u32 $0x1000, s24;
	[sflag:s16] =	ssyncset.done $0x0  }
0x35: {  	s25 =	sxor.u32 $0x3800, s24;
	[sflag:s16] =	ssyncadd.s32 $0xFFFFF000  }
0x36: {  	[tilespmem:s25], [sflag:$0x1] =	stream.indirect.gather [spmem:s2], $0x20, s23, s17, $0x2000b8;
	[tilespmem:$0xE620] =	vst v63  }
.Ltmp0:
0x37: {  	_ = 	snop;
	(pc) =	sbr.rel @p0 .LBB2_2-.Ltmp0, $4  }
0x38: {  	s24 =	sor.u32 $0x2800, s24  }
0x39: {  	[spmem:s3] =	stream.indirect.scatter.add.f32 [tilespmem:s24], [sflag:$0x2], $0x20, s21, s17, $0x2000b8;
	[tilespmem:$0xE620] =	vst v63  }
0x3a: {  	_ =	swait.ge [sflag:s13], $0x1000  }
0x3b: {  	[sflag:s13] =	ssyncset.done $0x0  }
0x3c: {  	[sflag:s13] =	ssyncadd.s32 $0xFFFFF000  }
0x3d: {  	_ =	swait.ge [sflag:s16], $0x1000  }
0x3e: {  	[sflag:s16] =	ssyncset.done $0x0  }
0x3f: {  	[sflag:s16] =	ssyncadd.s32 $0xFFFFF000  }
0x40: {  	[spmem:s3] =	stream.indirect.scatter.add.f32 [tilespmem:s19], [sflag:$0x2], $0x20, s18, s17, $0x2000b8;
	[tilespmem:$0xE620] =	vst v63  }
0x41: {  	_ =	swait.ge [sflag:s13], $0x1000  }
0x42: {  	[sflag:s13] =	ssyncset.done $0x0  }
0x43: {  	[sflag:s13] =	ssyncadd.s32 $0xFFFFF000  }
0x44: {  	_ =	strace $0x90000052  }
0x45: {  	_ =	strace $0x80000053  }
0x46: {  	[bflag:$0x0] =	sbarrier.arrive $0xFFFF  }
0x47: {  	s20 =	sadd.s32 $0x1, s20;
	_ =	strace $0x90000053  }
0x48: {  	p0 =	sne.s32 s20, s10;
	_ =	strace $0x80000054  }
0x49: {  	[hbm:s9], [sflag:s11] =	dma.local [spmem:s14], $0xA00  }
.Ltmp1:
0x4a: {  	_ = 	snop;
	(pc) =	sbr.rel @p0 .LBB2_1-.Ltmp1, $4  }
0x4b: {  	_ =	swait.ge [sflag:s13], $0xA00  }
0x4c: {  	[sflag:s13] =	ssyncset.done $0x0  }
0x4d: {  	[sflag:s13] =	ssyncadd.s32 $0xFFFFF600  }
0x4e: {  	_ =	strace $0x90000054  }
0x4f: {  	_ =	sfence.sel $0x180000  }
0x50: {  	[bflag:$0x0] =	sbarrier.arrive $0xFFFF  }
0x51: {  	p0 =	sne.s32 s0, $0x0;
	_ =	strace $0x9000004F  }
0x52: {  	s0 =	sadd.s32 @!p0 $0x100000, s1;
	[bflag:$0x2] =	sbarrier.arrive $0xFFFF  }
0x53: {  	[sflag:s0] =	ssyncadd.tile.s32 @!p0 $0x1;
	_ =	shalt  }
.Lfunc_end2:
_tile_overlayer_lowered:
.L_overlay_start_2:
0x54: {  	(tag) =	ssettag $0x2  }
0x55: {  	s0 =	rddreg [dreg:$0x0];
	s2 =	stileid.u32  }
0x56: {  	s1 =	rddreg [dreg:$0x1];
	p0 =	sne.s32 s2, $0x0  }
0x57: {  	s3 =	rddreg [dreg:$0x2];
	[bflag:$0x3] =	sbarrier.arrive $0xFFFF;
	s2 =	simm.s32 @!p0 $0x1C02  }
0x58: {  	[timem:s3], [sflag:s2] =	dma.local @!p0 [hbm:s0], s1  }
0x59: {  	s0 =	simm.s32 @!p0 $0x2  }
0x5a: {  	_ =	swait.ge @!p0 [sflag:s0], s1  }
0x5b: {  	s1 =	ssub.s32 @!p0 $0x0, s1;
	[sflag:s0] =	ssyncset.done @!p0 $0x0  }
0x5c: {  	[sflag:s0] =	ssyncadd.s32 @!p0 s1  }
0x5d: {  	[bflag:$0x3] =	sbarrier.arrive $0xFFFF  }
0x5e: {  	_ =	shalt  }

// kernel: kernel.7.cloned.1.call-start
scs
__scs_entry_jumppad:
0x0: {  	(pc) =	sbr.rel $0x88, $3  }
0x1: {  	(tag) =	ssettag $0x0;
	lr =	simm.s32 $0x1  }
0x2: {  	[smem:$0x3F99] =	sst lr;
	_ =	strace $0xD0000000  }
0x3: {  	_ = 	snop  }
0x4: {  	_ = 	snop  }
0x5: {  	_ = 	snop  }
0x6: {  	_ = 	snop  }
0x7: {  	_ = 	snop  }
__scs_overlays_trampoline_lowered:
0x8: {  	[smem:$0x3FA8] =	sst s0  }
0x9: {  	[smem:$0x3FA9] =	sst s1  }
0xa: {  	[smem:$0x3FAA] =	sst s2  }
0xb: {  	[smem:$0x3FAB] =	sst s3  }
0xc: {  	[smem:$0x3FAC] =	sst s4  }
0xd: {  	[smem:$0x3FAD] =	sst s5  }
0xe: {  	[smem:$0x3FAE] =	sst s6  }
0xf: {  	[smem:$0x3FAF] =	sst s7  }
0x10: {  	[smem:$0x3FB0] =	sst s8  }
0x11: {  	[smem:$0x3FB1] =	sst s9;
	s0 =	simm.s32 @!p0 $0x0  }
0x12: {  	s1 =	sld [smem:$0x3F97];
	s0 =	simm.s32 @p0 $0x1  }
0x13: {  	[smem:$0x3FB2] =	sst s0;
	s0 =	simm.s32 @!p1 $0x0  }
0x14: {  	s2 =	sld [smem:$0x3F96];
	s0 =	simm.s32 @p1 $0x1  }
0x15: {  	[smem:$0x3FB3] =	sst s0;
	s0 =	simm.s32 @!p2 $0x0  }
0x16: {  	s3 =	sld [smem:$0x3FDB];
	s0 =	simm.s32 @p2 $0x1  }
0x17: {  	s4 =	simm.s32 $0x1BF5;
	[smem:$0x3FB5] =	sst s0  }
0x18: {  	s0 =	sld [smem:$0x3F98];
	_ =	swait.ge [sflag:s4], $0x0  }
0x19: {  	s7 =	sld [smem:$0x3F99]  }
0x1a: {  	s8 =	sadd.s32 $0xFFFFE003, lr  }
0x1b: {  	s9 =	sadd.s32 $0xFFFFFEF7, lr;
	s5 =	simm.s32 $0xFFFFFFFF;
	p2 =	slt.u32 s8, $0xFFFFF086  }
0x1c: {  	p1 =	slt.u32 s9, $0xF7A;
	s5 =	simm.s32 @!p2 $0x0  }
0x1d: {  	s5 =	simm.s32 @p1 $0x1;
	p0 =	seq.s32 s7, s2  }
0x1e: {  	s7 =	smul.u32 @!p0 $0xF7A, s2;
	p2 =	seq.s32 @!p0 s5, $0x0  }
0x1f: {  	s9 =	smul.u32 $0xF7A, s1;
	s8 =	simm.s32 @!p0 $0x1BF5;
	p2 =	por !p2, p0  }
0x20: {  	[sflag:s8] =	ssyncset.s32 @!p0 $0xFFFFF086;
	s6 =	sadd.s32 @!p0 s3, s7;
	s7 =	simm.s32 @!p0 $0x108  }
0x21: {  	s3 =	sadd.s32 s3, s9;
	s6 =	sadd.s32 @!p0 $0x88, s6;
	s7 =	simm.s32 @p2 $0x1082  }
0x22: {  	[simem:s7], [sflag:s8] =	dma.local @!p0 [hbm:s6], $0xF7A  }
0x23: {  	s9 =	sor.u32 $0xD0000000, s2;
	s6 =	simm.s32 $0x108;
	_ =	swait.ge @!p0 [sflag:s8], $0x0  }
0x24: {  	s3 =	sadd.s32 $0x88, s3;
	s6 =	simm.s32 @!p1 $0x1082;
	[sflag:s4] =	ssyncset.s32 $0xFFFFF086  }
0x25: {  	[simem:s6], [sflag:s4] =	dma.local [hbm:s3], $0xF7A  }
0x26: {  	[smem:$0x3F99] =	sst s1;
	(tag) =	ssettag s2;
	_ =	strace s9  }
0x27: {  	s1 =	sld [smem:$0x3FA9]  }
0x28: {  	s2 =	sld [smem:$0x3FAA]  }
0x29: {  	s4 =	sld [smem:$0x3FAC]  }
0x2a: {  	p0 =	seq.s32 s5, $0x0;
	s5 =	sld [smem:$0x3FAD]  }
0x2b: {  	s6 =	sld [smem:$0x3FAE]  }
0x2c: {  	s7 =	sld [smem:$0x3FAF]  }
0x2d: {  	s3 =	simm.s32 $0x108;
	s8 =	sld [smem:$0x3FB0]  }
0x2e: {  	s3 =	simm.s32 @!p0 $0x1082;
	s9 =	sld [smem:$0x3FB1]  }
0x2f: {  	lr =	sadd.s32 s0, s3;
	s0 =	sld [smem:$0x3FA8]  }
0x30: {  	s3 =	sld [smem:$0x3FAB]  }
0x31: {  	[smem:$0x3FB4] =	sst s10  }
0x32: {  	s10 =	sld [smem:$0x3FB2];
	_ =	sdelay $0x3  }
0x33: {  	p0 =	seq.s32 s10, $0x1;
	s10 =	sld [smem:$0x3FB4];
	_ =	sdelay $0x3  }
0x34: {  	[smem:$0x3FB4] =	sst s10  }
0x35: {  	s10 =	sld [smem:$0x3FB3];
	_ =	sdelay $0x3  }
0x36: {  	p1 =	seq.s32 s10, $0x1;
	s10 =	sld [smem:$0x3FB4];
	_ =	sdelay $0x3  }
0x37: {  	[smem:$0x3FB4] =	sst s10  }
0x38: {  	s10 =	sld [smem:$0x3FB5]  }
0x39: {  	_ = 	snop;
	(pc) =	sbr.ind lr, $3  }
0x3a: {  	_ = 	snop  }
0x3b: {  	_ = 	snop  }
0x3c: {  	p2 =	seq.s32 s10, $0x1;
	s10 =	sld [smem:$0x3FB4]  }
0x3d: {  	_ =	shalt  }
0x3e: {  	_ =	shalt  }
0x3f: {  	_ =	shalt  }
0x40: {  	_ =	shalt  }
0x41: {  	_ =	shalt  }
0x42: {  	_ =	shalt  }
0x43: {  	_ =	shalt  }
0x44: {  	_ =	shalt  }
0x45: {  	_ =	shalt  }
0x46: {  	_ =	shalt  }
0x47: {  	_ =	shalt  }
0x48: {  	_ =	shalt  }
0x49: {  	_ =	shalt  }
0x4a: {  	_ =	shalt  }
0x4b: {  	_ =	shalt  }
0x4c: {  	_ =	shalt  }
0x4d: {  	_ =	shalt  }
0x4e: {  	_ =	shalt  }
0x4f: {  	_ =	shalt  }
0x50: {  	_ =	shalt  }
0x51: {  	_ =	shalt  }
0x52: {  	_ =	shalt  }
0x53: {  	_ =	shalt  }
0x54: {  	_ =	shalt  }
0x55: {  	_ =	shalt  }
0x56: {  	_ =	shalt  }
0x57: {  	_ =	shalt  }
0x58: {  	_ =	shalt  }
0x59: {  	_ =	shalt  }
0x5a: {  	_ =	shalt  }
0x5b: {  	_ =	shalt  }
0x5c: {  	_ =	shalt  }
0x5d: {  	_ =	shalt  }
0x5e: {  	_ =	shalt  }
0x5f: {  	_ =	shalt  }
0x60: {  	_ =	shalt  }
0x61: {  	_ =	shalt  }
0x62: {  	_ =	shalt  }
0x63: {  	_ =	shalt  }
0x64: {  	_ =	shalt  }
0x65: {  	_ =	shalt  }
0x66: {  	_ =	shalt  }
0x67: {  	_ =	shalt  }
0x68: {  	_ =	shalt  }
0x69: {  	_ =	shalt  }
0x6a: {  	_ =	shalt  }
0x6b: {  	_ =	shalt  }
0x6c: {  	_ =	shalt  }
0x6d: {  	_ =	shalt  }
0x6e: {  	_ =	shalt  }
0x6f: {  	_ =	shalt  }
0x70: {  	_ =	shalt  }
0x71: {  	_ =	shalt  }
0x72: {  	_ =	shalt  }
0x73: {  	_ =	shalt  }
0x74: {  	_ =	shalt  }
0x75: {  	_ =	shalt  }
0x76: {  	_ =	shalt  }
0x77: {  	_ =	shalt  }
0x78: {  	_ =	shalt  }
0x79: {  	_ =	shalt  }
0x7a: {  	_ =	shalt  }
0x7b: {  	_ =	shalt  }
0x7c: {  	_ =	shalt  }
0x7d: {  	_ =	shalt  }
0x7e: {  	_ =	shalt  }
0x7f: {  	_ =	shalt  }
0x80: {  	_ =	shalt  }
0x81: {  	_ =	shalt  }
0x82: {  	_ =	shalt  }
0x83: {  	_ =	shalt  }
0x84: {  	_ =	shalt  }
0x85: {  	_ =	shalt  }
0x86: {  	_ =	shalt  }
0x87: {  	_ =	shalt  }
.Lfunc_end0:
.L_simem_size_0:
called_computation_lowered:
.L_overlay_start_0:
0x88: {  	s2 =	sld [smem:$0x3FD9]  }
0x89: {  	s3 =	sld [smem:$0x3FFE];
	_ =	sdelay $0x1  }
0x8a: {  	s1 =	srdreg.scid  }
0x8b: {  	s0 =	sand.u32 $0x1, s1  }
0x8c: {  	s17 =	sshll.u32 s0, $0xA;
	s2 =	sadd.s32 s3, s2  }
0x8d: {  	s2 =	sadd.s32 s2, s17  }
0x8e: {  	[smem:$0x3FC0] =	sst s2  }
0x8f: {  	_ = 	snop  }
0x90: {  	s2 =	sld [smem:$0x3FD0];
	(tm) =	ssettm $0x1  }
0x91: {  	s18 =	sld [smem:$0x3FFB];
	_ =	sdelay $0x3  }
0x92: {  	_ =	strace s18  }
0x93: {  	s3 =	sld [smem:$0x3FFC];
	_ =	sdelay $0x3  }
0x94: {  	_ =	strace s3  }
0x95: {  	s3 =	sld [smem:$0x3FFD];
	_ =	sdelay $0x3  }
0x96: {  	_ =	strace s3  }
0x97: {  	_ =	strace $0x8FFFFFFF  }
0x98: {  	s19 =	sld [smem:$0x3FDB];
	_ =	sdelay $0x1  }
0x99: {  	s4 =	simm.s32 $_scs_section_size  }
0x9a: {  	s5 =	simm.s32 $_size__tile_overlayer_lowered;
	s6 =	simm.s32 $_tile_overlayer_lowered  }
0x9b: {  	s22 =	simm.s32 $0x1BFF;
	s21 =	sshll.u32 s6, $0x1;
	s3 =	sadd.s32 s4, s19  }
0x9c: {  	s7 =	simm.s32 $0x0;
	s20 =	sshll.u32 s5, $0x1;
	s5 =	sadd.s32 s21, s3  }
0x9d: {  	[timem:s7], [sflag:s22] =	dma.local [hbm:s5], s20  }
0x9e: {  	_ =	swait.ge [sflag:s22], s20  }
0x9f: {  	s4 =	ssub.s32 $0x0, s20;
	[sflag:s22] =	ssyncset.done $0x0  }
0xa0: {  	[sflag:s22] =	ssyncadd.s32 s4;
	_ =	sdelay $0x1  }
0xa1: {  	s23 =	simm.s32 $0x1B8B  }
0xa2: {  	_ =	swait.ge [sflag:s23], $0x1  }
0xa3: {  	[sflag:s23] =	ssyncset.done $0x0  }
0xa4: {  	s25 =	simm.s32 $0x1B8E;
	s24 =	sld [smem:$0x3FFE];
	[sflag:s23] =	ssyncadd.s32 $0xFFFFFFFF  }
0xa5: {  	s26 =	simm.s32 $execute0_lowered;
	[smem:$0x3FD2] =	sst s25  }
0xa6: {  	s5 =	sshll.u32 s26, $0x1;
	_ =	strace $0x80000046;
	[dreg:$0x1] =	wrdreg $0xFFFFFFFF  }
0xa7: {  	s28 =	simm.s32 $_size_execute0_lowered;
	s3 =	sadd.s32 s3, s5;
	[dreg:$0x0] =	wrdreg $0x0  }
0xa8: {  	s5 =	sshll.u32 s28, $0x1;
	[dreg:$0x2] =	wrdreg s3  }
0xa9: {  	[dreg:$0x3] =	wrdreg s5  }
0xaa: {  	[dreg:$0x4] =	wrdreg $0xC0  }
0xab: {  	_ =	task [dreg:s7], $0x5FFFF  }
0xac: {  	[dreg:$0x1] =	wrdreg $0xFFFFFFFF  }
0xad: {  	[dreg:$0x0] =	wrdreg $0x60  }
0xae: {  	[dreg:$0x2] =	wrdreg s24  }
0xaf: {  	[dreg:$0x3] =	wrdreg s2  }
0xb0: {  	[dreg:$0x4] =	wrdreg $0x48000  }
0xb1: {  	[dreg:$0x5] =	wrdreg $0x96200  }
0xb2: {  	[dreg:$0x6] =	wrdreg $0xEE200  }
0xb3: {  	[dreg:$0x7] =	wrdreg $0x9  }
0xb4: {  	_ =	task.clear_ibuf [dreg:s7], $0x8FFFF;
	_ =	strace $0x90000046  }
0xb5: {  	s29 =	simm.s32 $0x9;
	_ =	strace $0x8000004D  }
0xb6: {  	_ =	swait.ge [sflag:s29], $0x1  }
0xb7: {  	[sflag:s29] =	ssyncadd.s32 $0xFFFFFFFF  }
0xb8: {  	_ =	strace $0x9000004D  }
0xb9: {  	_ =	sfence  }
0xba: {  	s30 =	sld [smem:$0x0];
	_ =	sdelay $0x2  }
0xbb: {  	s31 =	sshll.u32 s1, $0xD;
	s1 =	sshrl.u32 s1, $0x2  }
0xbc: {  	s3 =	sand.u32 $0x4000, s31;
	s1 =	sadd.s32 s1, s30  }
0xbd: {  	s0 =	sor.u32 s3, s0;
	s1 =	sshll.u32 s1, $0x11  }
0xbe: {  	s0 =	sor.u32 s1, s0  }
0xbf: {  	s0 =	sadd.s32 $0x8F2B, s0  }
0xc0: {  	[sflag:s0] =	ssyncadd.remote.s32 $0x1  }
0xc1: {  	_ =	sfence.sel $0xFFFF  }
0xc2: {  	[dreg:$0x0] =	wrdreg $0xFFFFFFFF;
	(pc) =	sbr.abs _section_cstart, $3  }
0xc3: {  	[dreg:$0x1] =	wrdreg $0xFFFFFFFF  }
0xc4: {  	_ =	task.clear_ibuf [dreg:s7], $0x2FFFF;
	_ =	strace $0x9FFFFFFF  }
0xc5: {  	(tm) =	ssettm $0x7FFFFFFF  }
tec
execute0_lowered:
.L_overlay_start_1:
0x0: {  	(tag) =	ssettag $0x1  }
0x1: {  	s7 =	rddreg [dreg:$0x0]  }
0x2: {  	s10 =	rddreg [dreg:$0x1]  }
0x3: {  	s1 =	rddreg [dreg:$0x2]  }
0x4: {  	s0 =	srdreg.scid;
	s3 =	rddreg [dreg:$0x3]  }
0x5: {  	s4 =	rddreg [dreg:$0x4];
	s8 =	sand.u32 $0x1, s0;
	s0 =	stileid.u32  }
0x6: {  	s5 =	simm.s32 $0x0;
	s23 =	simm.s32 $0x80;
	s9 =	smul.u32 $0x4E20, s0  }
0x7: {  	s24 =	simm.s32 $0x2780;
	s25 =	simm.s32 $0x3800;
	s12 =	smul.u32 $0x5000, s0  }
0x8: {  	s26 =	simm.s32 $0x0;
	[smem:$0x7FF] =	sst s5;
	s13 =	smul.u32 $0x2800, s0  }
0x9: {  	s2 =	sshll.u32 s8, $0x4;
	_ =	strace $0x80000047;
	s15 =	smul.u32 $0x280, s0  }
0xa: {  	s17 =	smul.u32 $0x2800, s8;
	s8 =	ssub.s32 $0x2, s8;
	s2 =	sor.u32 s0, s2  }
0xb: {  	s31 =	sshll.u32 s0, $0x6;
	s20 =	sshrl.u32 s8, $0x1;
	s11 =	smul.u32 $0x280, s2  }
0xc: {  	s6 =	sshrl.u32 s9, $0x3;
	s29 =	sshrl.u32 s12, $0x3;
	s16 =	sshrl.u32 s13, $0x3  }
0xd: {  	s15 =	sadd.s32 s15, s17;
	s20 =	ssub.s32 s8, s20;
	s21 =	sadd.s32 s9, s1  }
0xe: {  	s22 =	sadd.s32 s12, s3;
	s30 =	sadd.s32 s13, s4;
	s14 =	sadd.s32 s6, s7  }
0xf: {  	s19 =	sadd.s32 s29, s7;
	s16 =	sadd.s32 s16, s7;
	s6 =	sadd.s32 $0x10200, s7  }
0x10: {  	s17 =	sshll.u32 s15, $0x2;
	s15 =	sshll.u32 s15, $0x1;
	s18 =	sadd.s32 s11, s7  }
0x11: {  	s17 =	sadd.s32 s17, s7;
	s15 =	sadd.s32 s15, s7;
	s7 =	sadd.s32 $0x1200, s14  }
0x12: {  	s8 =	sadd.s32 $0x15400, s19;
	s9 =	sadd.s32 $0x10400, s16;
	s10 =	sadd.s32 s10, s11  }
0x13: {  	s14 =	smax.u32 s20, $0x1;
	s16 =	sshrl.u32 s21, $0x3;
	s19 =	sshrl.u32 s30, $0x3  }
0x14: {  	s20 =	simm.s32 $0xE620;
	s21 =	simm.s32 $0x2800;
	s11 =	sadd.s32 $0xB200, s18  }
0x15: {  	s12 =	sadd.s32 $0x1F400, s17;
	s13 =	sadd.s32 $0x33400, s15;
	s15 =	sor.u32 $0x1C02, s31  }
0x16: {  	s17 =	simm.s32 $0x2;
	s18 =	sshrl.u32 s22, $0x3;
	s22 =	simm.s32 $0x1  }
.LBB2_1:
0x17: {  	_ =	strace $0x80000048  }
0x18: {  	[spmem:s16], [sflag:s15] =	dma.local [hbm:s7], $0x9C4  }
0x19: {  	_ =	swait.ge [sflag:s17], $0x9C4  }
0x1a: {  	[sflag:s17] =	ssyncset.done $0x0  }
0x1b: {  	[sflag:s17] =	ssyncadd.s32 $0xFFFFF63C  }
0x1c: {  	[spmem:s18], [sflag:s15] =	dma.local [hbm:s8], $0xA00  }
0x1d: {  	_ =	swait.ge [sflag:s17], $0xA00  }
0x1e: {  	[sflag:s17] =	ssyncset.done $0x0  }
0x1f: {  	[sflag:s17] =	ssyncadd.s32 $0xFFFFF600  }
0x20: {  	[spmem:s19], [sflag:s15] =	dma.local [hbm:s9], $0x500  }
0x21: {  	_ =	swait.ge [sflag:s17], $0x500  }
0x22: {  	[sflag:s17] =	ssyncset.done $0x0  }
0x23: {  	[sflag:s17] =	ssyncadd.s32 $0xFFFFFB00  }
0x24: {  	[tilespmem:s20], [sflag:$0x2] =	stream.linear.gather [hbm4b:s6+s5], $0x800, $0x200038;
	[tilespmem:$0x11620] =	vst v63  }
0x25: {  	_ =	swait.ge [sflag:s17], $0x800  }
0x26: {  	[sflag:s17] =	ssyncset.done $0x0  }
0x27: {  	[sflag:s17] =	ssyncadd.s32 $0xFFFFF800  }
0x28: {  	[tilespmem:s5], [sflag:$0x2] =	stream.linear.gather [hbm4b:s10+s5], $0x1400, $0x200038;
	[tilespmem:$0x11620] =	vst v63  }
0x29: {  	_ =	swait.ge [sflag:s17], $0x1400  }
0x2a: {  	[sflag:s17] =	ssyncset.done $0x0  }
0x2b: {  	s28 =	simm.s32 $0x1400;
	[sflag:s17] =	ssyncadd.s32 $0xFFFFEC00  }
0x2c: {  	[tilespmem:s28], [sflag:$0x2] =	stream.linear.gather [hbm4b:s11+s5], $0x1400, $0x200038;
	[tilespmem:$0x11620] =	vst v63  }
0x2d: {  	_ =	swait.ge [sflag:s17], $0x1400  }
0x2e: {  	[sflag:s17] =	ssyncset.done $0x0  }
0x2f: {  	[sflag:s17] =	ssyncadd.s32 $0xFFFFEC00  }
0x30: {  	_ =	strace $0x90000048  }
0x31: {  	_ =	strace $0x80000049  }
0x32: {  	[bflag:$0x0] =	sbarrier.arrive $0xFFFF  }
0x33: {  	_ =	strace $0x90000049  }
0x34: {  	[tilespmem:s21], [sflag:$0x1] =	stream.indirect.gather [spmem:s1], $0x20, s5, s23, $0xb8;
	[tilespmem:$0x11620] =	vst v63  }
0x35: {  	_ =	strace $0x8000004A  }
0x36: {  	s29 =	simm.s32 $0x0;
	_ =	swait.ge [sflag:s22], $0x1000  }
0x37: {  	s29 =	sand.u32 $0x1000, s29;
	[sflag:s22] =	ssyncset.done $0x0  }
0x38: {  	s30 =	sxor.u32 $0x3800, s29;
	[sflag:s22] =	ssyncadd.s32 $0xFFFFF000  }
0x39: {  	[tilespmem:s30], [sflag:$0x1] =	stream.indirect.gather [spmem:s1], $0x20, s23, s23, $0x2000b8;
	[tilespmem:$0x11620] =	vst v63  }
0x3a: {  	s29 =	sor.u32 $0x2800, s29  }
0x3b: {  	[spmem:s3] =	stream.indirect.scatter.add.f32 [tilespmem:s29], [sflag:$0x2], $0x20, s28, s23, $0x2000b8;
	[tilespmem:$0x11620] =	vst v63  }
0x3c: {  	_ =	swait.ge [sflag:s17], $0x1000  }
0x3d: {  	[sflag:s17] =	ssyncset.done $0x0  }
0x3e: {  	[sflag:s17] =	ssyncadd.s32 $0xFFFFF000  }
0x3f: {  	[spmem:s4] =	stream.indirect.scatter.add.f32 [tilespmem:s20], [sflag:$0x2], $0x10, s28, s23, $0x2000b8;
	[tilespmem:$0x11620] =	vst v63  }
0x40: {  	_ =	swait.ge [sflag:s17], $0x800  }
0x41: {  	s30 =	simm.s32 $0x80;
	s29 =	simm.s32 $0x1;
	[sflag:s17] =	ssyncset.done $0x0  }
.LBB2_2:
0x42: {  	[sflag:s17] =	ssyncadd.s32 $0xFFFFF800;
	s28 =	sadd.s32 $0x80, s28;
	s30 =	sadd.s32 $0x80, s30  }
0x43: {  	s31 =	sshll.u32 s29, $0xC;
	p0 =	sne.s32 s29, $0x26;
	_ =	swait.ge [sflag:s22], $0x1000  }
0x44: {  	s29 =	sadd.s32 $0x1, s29;
	s31 =	sand.u32 $0x1000, s31;
	[sflag:s22] =	ssyncset.done $0x0  }
0x45: {  	s2 =	sxor.u32 $0x3800, s31;
	[sflag:s22] =	ssyncadd.s32 $0xFFFFF000  }
0x46: {  	[tilespmem:s2], [sflag:$0x1] =	stream.indirect.gather [spmem:s1], $0x20, s30, s23, $0x2000b8;
	[tilespmem:$0x11620] =	vst v63  }
0x47: {  	s2 =	sor.u32 $0x2800, s31  }
0x48: {  	[spmem:s3] =	stream.indirect.scatter.add.f32 [tilespmem:s2], [sflag:$0x2], $0x20, s28, s23, $0x2000b8;
	[tilespmem:$0x11620] =	vst v63  }
0x49: {  	_ =	swait.ge [sflag:s17], $0x1000  }
.Ltmp0:
0x4a: {  	[sflag:s17] =	ssyncset.done $0x0;
	(pc) =	sbr.rel @p0 .LBB2_2-.Ltmp0, $4  }
0x4b: {  	[sflag:s17] =	ssyncadd.s32 $0xFFFFF000  }
0x4c: {  	[spmem:s4] =	stream.indirect.scatter.add.f32 [tilespmem:s20], [sflag:$0x2], $0x10, s28, s23, $0x2000b8;
	[tilespmem:$0x11620] =	vst v63  }
0x4d: {  	_ =	swait.ge [sflag:s17], $0x800  }
0x4e: {  	[sflag:s17] =	ssyncset.done $0x0  }
0x4f: {  	[sflag:s17] =	ssyncadd.s32 $0xFFFFF800  }
0x50: {  	_ =	swait.ge [sflag:s22], $0x1000  }
0x51: {  	[sflag:s22] =	ssyncset.done $0x0  }
0x52: {  	[sflag:s22] =	ssyncadd.s32 $0xFFFFF000  }
0x53: {  	[spmem:s3] =	stream.indirect.scatter.add.f32 [tilespmem:s25], [sflag:$0x2], $0x20, s24, s23, $0x2000b8;
	[tilespmem:$0x11620] =	vst v63  }
0x54: {  	_ =	swait.ge [sflag:s17], $0x1000  }
0x55: {  	[sflag:s17] =	ssyncset.done $0x0  }
0x56: {  	[sflag:s17] =	ssyncadd.s32 $0xFFFFF000  }
0x57: {  	[spmem:s4] =	stream.indirect.scatter.add.f32 [tilespmem:s20], [sflag:$0x2], $0x10, s24, s23, $0x2000b8;
	[tilespmem:$0x11620] =	vst v63  }
0x58: {  	_ =	swait.ge [sflag:s17], $0x800  }
0x59: {  	[sflag:s17] =	ssyncset.done $0x0  }
0x5a: {  	[sflag:s17] =	ssyncadd.s32 $0xFFFFF800  }
0x5b: {  	_ =	strace $0x9000004A  }
0x5c: {  	_ =	strace $0x8000004B  }
0x5d: {  	[bflag:$0x0] =	sbarrier.arrive $0xFFFF  }
0x5e: {  	_ =	strace $0x9000004B  }
0x5f: {  	_ =	strace $0x8000004C  }
0x60: {  	[hbm:s12], [sflag:s15] =	dma.local [spmem:s18], $0xA00  }
0x61: {  	_ =	swait.ge [sflag:s17], $0xA00  }
0x62: {  	s26 =	sadd.s32 $0x1, s26;
	[sflag:s17] =	ssyncset.done $0x0  }
0x63: {  	p0 =	sne.s32 s26, s14;
	[sflag:s17] =	ssyncadd.s32 $0xFFFFF600  }
0x64: {  	[hbm:s13], [sflag:s15] =	dma.local [spmem:s19], $0x500  }
.Ltmp1:
0x65: {  	_ = 	snop;
	(pc) =	sbr.rel @p0 .LBB2_1-.Ltmp1, $4  }
0x66: {  	_ =	swait.ge [sflag:s17], $0x500  }
0x67: {  	[sflag:s17] =	ssyncset.done $0x0  }
0x68: {  	[sflag:s17] =	ssyncadd.s32 $0xFFFFFB00  }
0x69: {  	_ =	strace $0x9000004C  }
0x6a: {  	_ =	sfence.sel $0x180000  }
0x6b: {  	[bflag:$0x0] =	sbarrier.arrive $0xFFFF  }
0x6c: {  	_ =	strace $0x90000047  }
0x6d: {  	[bflag:$0x2] =	sbarrier.arrive $0xFFFF  }
0x6e: {  	p0 =	sne.s32 s0, $0x0;
	s0 =	rddreg [dreg:$0x5]  }
0x6f: {  	s0 =	sadd.s32 @!p0 $0x100000, s0  }
0x70: {  	[sflag:s0] =	ssyncadd.tile.s32 @!p0 $0x1;
	_ =	shalt  }
.Lfunc_end2:
_tile_overlayer_lowered:
.L_overlay_start_2:
0x71: {  	(tag) =	ssettag $0x2  }
0x72: {  	s0 =	rddreg [dreg:$0x0];
	s2 =	stileid.u32  }
0x73: {  	s1 =	rddreg [dreg:$0x1];
	p0 =	sne.s32 s2, $0x0  }
0x74: {  	s3 =	rddreg [dreg:$0x2];
	[bflag:$0x3] =	sbarrier.arrive $0xFFFF;
	s2 =	simm.s32 @!p0 $0x1C02  }
0x75: {  	[timem:s3], [sflag:s2] =	dma.local @!p0 [hbm:s0], s1  }
0x76: {  	s0 =	simm.s32 @!p0 $0x2  }
0x77: {  	_ =	swait.ge @!p0 [sflag:s0], s1  }
0x78: {  	s1 =	ssub.s32 @!p0 $0x0, s1;
	[sflag:s0] =	ssyncset.done @!p0 $0x0  }
0x79: {  	[sflag:s0] =	ssyncadd.s32 @!p0 s1  }
0x7a: {  	[bflag:$0x3] =	sbarrier.arrive $0xFFFF  }
0x7b: {  	_ =	shalt  }

</sc_bundles>
